<compile_context>
chip_gen: v7x
topology: tpu7x:2x2x1
jax: 0.10.2.dev20260603
libtpu: 0.0.44.dev20260713+nightly
codegen_flags: <defaults>
</compile_context>

<pallas_src>
import functools

import jax
import jax.numpy as jnp
from jax import lax
from jax.experimental import pallas as pl
from jax.experimental.pallas import tpu as pltpu
from jax.experimental.pallas import tpu_sc as plsc

_N = 10000
_D = 128
_H = 32
_E = 320000
_NC, _NS = 2, 16
_NW = _NC * _NS
_CSZ = 128
_CHUNKS = -(-_E // (_NW * _CSZ))
_EW = _CHUNKS * _CSZ
_EPAD = _NW * _EW
_RPT = 632
_AROWS = _NS * _RPT
_DEGW = 8
_NBUF = 8


def _sc_deg_body(dst_hbm, zero_hbm, ones_hbm, out_hbm, dst_v, ones_v, acc_sh):
    c = lax.axis_index("c")
    s = lax.axis_index("s")
    w = c * _NS + s
    pltpu.sync_copy(dst_hbm.at[w], dst_v)
    pltpu.sync_copy(ones_hbm, ones_v)

    @pl.when(s == 0)
    def _():
        pltpu.sync_copy(zero_hbm, acc_sh)

    plsc.subcore_barrier()

    def chunk(j, carry):
        pltpu.sync_copy(ones_v, acc_sh.at[dst_v.at[j]], add=True)
        return carry

    lax.fori_loop(0, _CHUNKS, chunk, 0)
    plsc.subcore_barrier()
    pltpu.sync_copy(acc_sh.at[pl.ds(s * _RPT, _RPT)],
                    out_hbm.at[c].at[pl.ds(s * _RPT, _RPT)])


def _sc_prop_body(xs_hbm, src_hbm, dst_hbm, zero_hbm, out_hbm,
                  src_v, dst_v, gbuf, acc_sh, gsem, ssem):
    c = lax.axis_index("c")
    s = lax.axis_index("s")
    w = c * _NS + s
    pltpu.sync_copy(src_hbm.at[w], src_v)
    pltpu.sync_copy(dst_hbm.at[w], dst_v)

    @pl.when(s == 0)
    def _():
        pltpu.sync_copy(zero_hbm, acc_sh)

    plsc.subcore_barrier()

    for p in range(_NBUF - 1):
        pltpu.async_copy(xs_hbm.at[src_v.at[p]], gbuf.at[p], gsem)

    def chunk(j, carry):
        pltpu.make_async_copy(xs_hbm.at[src_v.at[j]], gbuf.at[j % _NBUF],
                              gsem).wait()
        pltpu.async_copy(gbuf.at[j % _NBUF], acc_sh.at[dst_v.at[j]], ssem,
                         add=True)

        @pl.when(j + _NBUF - 1 < _CHUNKS)
        def _():
            @pl.when(j >= 1)
            def _():
                pltpu.make_async_copy(gbuf.at[j % _NBUF],
                                      acc_sh.at[dst_v.at[j]], ssem).wait()
            pltpu.async_copy(xs_hbm.at[src_v.at[j + _NBUF - 1]],
                             gbuf.at[(j + _NBUF - 1) % _NBUF], gsem)

        return carry

    lax.fori_loop(0, _CHUNKS, chunk, 0)
    for p in range(_NBUF):
        pltpu.make_async_copy(gbuf.at[p], acc_sh.at[dst_v.at[p]], ssem).wait()
    plsc.subcore_barrier()
    pltpu.sync_copy(acc_sh.at[pl.ds(s * _RPT, _RPT)],
                    out_hbm.at[c].at[pl.ds(s * _RPT, _RPT)])


@functools.lru_cache(maxsize=None)
def _sc_kernels():
    mesh = plsc.VectorSubcoreMesh(core_axis_name="c", subcore_axis_name="s",
                                  num_cores=_NC, num_subcores=_NS)
    params = pltpu.CompilerParams(use_tc_tiling_on_sc=False)
    sc_deg = pl.kernel(
        _sc_deg_body,
        out_type=jax.ShapeDtypeStruct((_NC, _AROWS, _DEGW), jnp.float32),
        mesh=mesh,
        scratch_types=[
            pltpu.VMEM((_CHUNKS, _CSZ), jnp.int32),
            pltpu.VMEM((_CSZ, _DEGW), jnp.float32),
            pltpu.VMEM_SHARED((_AROWS, _DEGW), jnp.float32),
        ],
        compiler_params=params,
    )
    sc_prop = pl.kernel(
        _sc_prop_body,
        out_type=jax.ShapeDtypeStruct((_NC, _AROWS, _H), jnp.float32),
        mesh=mesh,
        scratch_types=[
            pltpu.VMEM((_CHUNKS, _CSZ), jnp.int32),
            pltpu.VMEM((_CHUNKS, _CSZ), jnp.int32),
            pltpu.VMEM((_NBUF, _CSZ, _H), jnp.float32),
            pltpu.VMEM_SHARED((_AROWS, _H), jnp.float32),
            pltpu.SemaphoreType.DMA,
            pltpu.SemaphoreType.DMA,
        ],
        compiler_params=params,
    )
    return sc_deg, sc_prop



def _tc1_body(x_ref, w1_ref, deg_ref, xs_ref, dis_ref):
    h = jnp.dot(x_ref[...], w1_ref[...], preferred_element_type=jnp.float32)
    d = deg_ref[0, 0:_N, 0:1] + deg_ref[1, 0:_N, 0:1] + 1.0
    dis = lax.rsqrt(d)
    xs_ref[...] = h * dis
    dis_ref[...] = dis


_tc1 = pl.pallas_call(
    _tc1_body,
    out_shape=[jax.ShapeDtypeStruct((_N, _H), jnp.float32),
               jax.ShapeDtypeStruct((_N, 1), jnp.float32)],
)


def _tc2_body(acc_ref, xs_ref, dis_ref, b_ref, w_ref, out_ref):
    a = acc_ref[0, 0:_N] + acc_ref[1, 0:_N] + xs_ref[...]
    h = jnp.maximum(dis_ref[...] * a + b_ref[...], 0.0)
    out_ref[...] = jnp.dot(h, w_ref[...],
                           preferred_element_type=jnp.float32) * dis_ref[...]


_tc2 = pl.pallas_call(
    _tc2_body,
    out_shape=jax.ShapeDtypeStruct((_N, _H), jnp.float32),
)


def _tc3_body(acc_ref, xs_ref, dis_ref, b_ref, w_ref, fcb_ref, out_ref):
    a = acc_ref[0, 0:_N] + acc_ref[1, 0:_N] + xs_ref[...]
    h = jnp.maximum(dis_ref[...] * a + b_ref[...], 0.0)
    s = jnp.dot(h, w_ref[...],
                preferred_element_type=jnp.float32) + fcb_ref[...]
    out_ref[...] = s[:, 0]


_tc3 = pl.pallas_call(
    _tc3_body,
    out_shape=jax.ShapeDtypeStruct((_N,), jnp.float32),
)



def kernel(x, edge_index, W1, b1, W2, b2, fc_W, fc_b):
    pad = _EPAD - _E
    pad_dst = _N + jnp.arange(pad, dtype=jnp.int32) % (_AROWS - _N)
    srcp = jnp.concatenate(
        [edge_index[0], jnp.zeros((pad,), jnp.int32)]).reshape(_NW, _CHUNKS, _CSZ)
    dstp = jnp.concatenate(
        [edge_index[1], pad_dst]).reshape(_NW, _CHUNKS, _CSZ)
    zeros_deg = jnp.zeros((_AROWS, _DEGW), jnp.float32)
    ones_deg = jnp.ones((_CSZ, _DEGW), jnp.float32)
    zeros_acc = jnp.zeros((_AROWS, _H), jnp.float32)

    _sc_deg, _sc_prop = _sc_kernels()
    deg2 = _sc_deg(dstp, zeros_deg, ones_deg)
    xs1, dis = _tc1(x, W1, deg2)
    acc1 = _sc_prop(xs1, srcp, dstp, zeros_acc)
    xs2 = _tc2(acc1, xs1, dis, b1.reshape(1, _H), W2)
    acc2 = _sc_prop(xs2, srcp, dstp, zeros_acc)
    return _tc3(acc2, xs2, dis, b2.reshape(1, _H), fc_W, fc_b.reshape(1, 1))

# --- scband reference (transcript-rebuilt; emitter-appended) ---
"""Pipeline reference for scband-route-optimizer-gcn-4569845203263 (READ-ONLY COPY).

The authoritative reference and input builder live on the scoring server;
editing this copy changes nothing except your own understanding.
"""

import jax, jax.numpy as jnp
import numpy as np

N = 10000
E = 320000
D = 128
H = 32


def setup_inputs(seed: int = 0) -> dict:
    key = jax.random.key(seed)
    ks = jax.random.split(key, 8)
    x = jax.random.normal(ks[0], (N, D), dtype=jnp.float32)
    edge_index = jax.random.randint(ks[1], (2, E), 0, N, dtype=jnp.int32)
    # GCNConv weights (glorot-ish scaling)
    W1 = jax.random.normal(ks[2], (D, H), dtype=jnp.float32) * (1.0 / np.sqrt(D))
    b1 = jnp.zeros((H,), dtype=jnp.float32)
    W2 = jax.random.normal(ks[3], (H, H), dtype=jnp.float32) * (1.0 / np.sqrt(H))
    b2 = jnp.zeros((H,), dtype=jnp.float32)
    fc_W = jax.random.normal(ks[4], (H, 1), dtype=jnp.float32) * (1.0 / np.sqrt(H))
    fc_b = jnp.zeros((1,), dtype=jnp.float32)
    return {"x": x, "edge_index": edge_index, "W1": W1, "b1": b1,
            "W2": W2, "b2": b2, "fc_W": fc_W, "fc_b": fc_b}


def _gcn_conv(x, src, dst, W, b):
    # PyG GCNConv: add self-loops, symmetric normalization D^-1/2 (A+I) D^-1/2 X W + b
    n = x.shape[0]
    deg = jnp.zeros((n,), dtype=jnp.float32).at[dst].add(1.0)
    deg_inv_sqrt = jnp.where(deg > 0, 1.0 / jnp.sqrt(deg), 0.0)
    norm = deg_inv_sqrt[src] * deg_inv_sqrt[dst]
    h = x @ W
    msg = h[src] * norm[:, None]
    out = jnp.zeros((n, W.shape[1]), dtype=jnp.float32).at[dst].add(msg)
    return out + b


def reference(x, edge_index, W1, b1, W2, b2, fc_W, fc_b):
    n = x.shape[0]
    loop = jnp.arange(n, dtype=edge_index.dtype)
    src = jnp.concatenate([edge_index[0], loop])
    dst = jnp.concatenate([edge_index[1], loop])
    h = jax.nn.relu(_gcn_conv(x, src, dst, W1, b1))
    # dropout is identity in eval mode
    h = jax.nn.relu(_gcn_conv(h, src, dst, W2, b2))
    scores = (h @ fc_W + fc_b).squeeze(-1)
    return scores

if __name__ == "__main__":
    import jax
    _d = setup_inputs()
    print(jax.jit(kernel)(*tuple(_d.values())))

</pallas_src>

<mosaic_0001>
#map = affine_map<(d0, d1) -> (0, 0)>
#map1 = affine_map<(d0, d1) -> (0, 0, 0)>
module attributes {stable_mosaic.version = 14 : i64} {
  func.func @_sc_prop_body(%arg0: i32, %arg1: i32, %arg2: memref<10000x32xf32, #tpu.memory_space<hbm>>, %arg3: memref<32x79x128xi32, #tpu.memory_space<hbm>>, %arg4: memref<32x79x128xi32, #tpu.memory_space<hbm>>, %arg5: memref<10112x32xf32, #tpu.memory_space<hbm>>, %arg6: memref<2x10112x32xf32, #tpu.memory_space<hbm>>, %arg7: memref<79x128xi32, #tpu.memory_space<vmem>>, %arg8: memref<79x128xi32, #tpu.memory_space<vmem>>, %arg9: memref<8x128x32xf32, #tpu.memory_space<vmem>>, %arg10: memref<10112x32xf32, #tpu.memory_space<vmem_shared>>, %arg11: memref<!tpu.dma_semaphore, #tpu.memory_space<semaphore_mem>>, %arg12: memref<!tpu.dma_semaphore, #tpu.memory_space<semaphore_mem>>) attributes {dimension_semantics = [#tpu.dimension_semantics<core_parallel>, #tpu.dimension_semantics<subcore_parallel>], iteration_bounds = array<i64: 2, 16>, scalar_prefetch = 0 : i64, scratch_operands = 6 : i64, tpu.core_type = #tpu.core_type<sc_vector_subcore>, window_params = [{transform_indices = #map}, {transform_indices = #map1}, {transform_indices = #map1}, {transform_indices = #map}, {transform_indices = #map1}]} {
    %mul3A = arith.constant 16 : i32
    %mul3A_0 = arith.muli %arg0, %mul3A : i32
    %add3A = arith.addi %mul3A_0, %arg1 : i32
    "tpu.region"() ({
      %run_scoped3A = tpu.sem_alloc : memref<!tpu.dma_semaphore, #tpu.memory_space<semaphore_mem>>
      %dma_start3A_191 = arith.constant 0 : i32
      %dma_start3A_192 = arith.constant 0 : i32
      %dma_start3A_193 = tpu.memref_slice %arg3[%add3A, %dma_start3A_191, %dma_start3A_192] : memref<32x79x128xi32, #tpu.memory_space<hbm>> -> memref<1x79x128xi32, #tpu.memory_space<hbm>>
      %dma_start3A_194 = tpu.memref_squeeze %dma_start3A_193 : memref<1x79x128xi32, #tpu.memory_space<hbm>> -> memref<79x128xi32, #tpu.memory_space<hbm>>
      %dma_start3A_195 = arith.constant 0 : i32
      %dma_start3A_196 = arith.constant 0 : i32
      %dma_start3A_197 = tpu.memref_slice %arg3[%add3A, %dma_start3A_195, %dma_start3A_196] : memref<32x79x128xi32, #tpu.memory_space<hbm>> -> memref<1x79x128xi32, #tpu.memory_space<hbm>>
      %dma_start3A_198 = tpu.memref_squeeze %dma_start3A_197 : memref<1x79x128xi32, #tpu.memory_space<hbm>> -> memref<79x128xi32, #tpu.memory_space<hbm>>
      tpu.enqueue_dma source(%dma_start3A_198 : memref<79x128xi32, #tpu.memory_space<hbm>>) target(%arg7 : memref<79x128xi32, #tpu.memory_space<vmem>>) target_semaphore(%run_scoped3A : memref<!tpu.dma_semaphore, #tpu.memory_space<semaphore_mem>>)
      %dma_wait3A_199 = arith.constant 0 : i32
      %dma_wait3A_200 = arith.constant 0 : i32
      %dma_wait3A_201 = tpu.memref_slice %arg3[%add3A, %dma_wait3A_199, %dma_wait3A_200] : memref<32x79x128xi32, #tpu.memory_space<hbm>> -> memref<1x79x128xi32, #tpu.memory_space<hbm>>
      %dma_wait3A_202 = tpu.memref_squeeze %dma_wait3A_201 : memref<1x79x128xi32, #tpu.memory_space<hbm>> -> memref<79x128xi32, #tpu.memory_space<hbm>>
      %dma_wait3A_203 = arith.constant 0 : i32
      %dma_wait3A_204 = arith.constant 0 : i32
      %dma_wait3A_205 = tpu.memref_slice %arg3[%add3A, %dma_wait3A_203, %dma_wait3A_204] : memref<32x79x128xi32, #tpu.memory_space<hbm>> -> memref<1x79x128xi32, #tpu.memory_space<hbm>>
      %dma_wait3A_206 = tpu.memref_squeeze %dma_wait3A_205 : memref<1x79x128xi32, #tpu.memory_space<hbm>> -> memref<79x128xi32, #tpu.memory_space<hbm>>
      tpu.wait_dma2 semaphore(%run_scoped3A : memref<!tpu.dma_semaphore, #tpu.memory_space<semaphore_mem>>) src(%dma_wait3A_206 : memref<79x128xi32, #tpu.memory_space<hbm>>) dst(%arg7 : memref<79x128xi32, #tpu.memory_space<vmem>>)
      tpu.yield
    }) : () -> ()
    "tpu.region"() ({
      %run_scoped3A = tpu.sem_alloc : memref<!tpu.dma_semaphore, #tpu.memory_space<semaphore_mem>>
      %dma_start3A_191 = arith.constant 0 : i32
      %dma_start3A_192 = arith.constant 0 : i32
      %dma_start3A_193 = tpu.memref_slice %arg4[%add3A, %dma_start3A_191, %dma_start3A_192] : memref<32x79x128xi32, #tpu.memory_space<hbm>> -> memref<1x79x128xi32, #tpu.memory_space<hbm>>
      %dma_start3A_194 = tpu.memref_squeeze %dma_start3A_193 : memref<1x79x128xi32, #tpu.memory_space<hbm>> -> memref<79x128xi32, #tpu.memory_space<hbm>>
      %dma_start3A_195 = arith.constant 0 : i32
      %dma_start3A_196 = arith.constant 0 : i32
      %dma_start3A_197 = tpu.memref_slice %arg4[%add3A, %dma_start3A_195, %dma_start3A_196] : memref<32x79x128xi32, #tpu.memory_space<hbm>> -> memref<1x79x128xi32, #tpu.memory_space<hbm>>
      %dma_start3A_198 = tpu.memref_squeeze %dma_start3A_197 : memref<1x79x128xi32, #tpu.memory_space<hbm>> -> memref<79x128xi32, #tpu.memory_space<hbm>>
      tpu.enqueue_dma source(%dma_start3A_198 : memref<79x128xi32, #tpu.memory_space<hbm>>) target(%arg8 : memref<79x128xi32, #tpu.memory_space<vmem>>) target_semaphore(%run_scoped3A : memref<!tpu.dma_semaphore, #tpu.memory_space<semaphore_mem>>)
      %dma_wait3A_199 = arith.constant 0 : i32
      %dma_wait3A_200 = arith.constant 0 : i32
      %dma_wait3A_201 = tpu.memref_slice %arg4[%add3A, %dma_wait3A_199, %dma_wait3A_200] : memref<32x79x128xi32, #tpu.memory_space<hbm>> -> memref<1x79x128xi32, #tpu.memory_space<hbm>>
      %dma_wait3A_202 = tpu.memref_squeeze %dma_wait3A_201 : memref<1x79x128xi32, #tpu.memory_space<hbm>> -> memref<79x128xi32, #tpu.memory_space<hbm>>
      %dma_wait3A_203 = arith.constant 0 : i32
      %dma_wait3A_204 = arith.constant 0 : i32
      %dma_wait3A_205 = tpu.memref_slice %arg4[%add3A, %dma_wait3A_203, %dma_wait3A_204] : memref<32x79x128xi32, #tpu.memory_space<hbm>> -> memref<1x79x128xi32, #tpu.memory_space<hbm>>
      %dma_wait3A_206 = tpu.memref_squeeze %dma_wait3A_205 : memref<1x79x128xi32, #tpu.memory_space<hbm>> -> memref<79x128xi32, #tpu.memory_space<hbm>>
      tpu.wait_dma2 semaphore(%run_scoped3A : memref<!tpu.dma_semaphore, #tpu.memory_space<semaphore_mem>>) src(%dma_wait3A_206 : memref<79x128xi32, #tpu.memory_space<hbm>>) dst(%arg8 : memref<79x128xi32, #tpu.memory_space<vmem>>)
      tpu.yield
    }) : () -> ()
    %eq3A = arith.constant 0 : i32
    %eq3A_1 = arith.cmpi eq, %arg1, %eq3A : i32
    %convert_element_type3A = arith.extui %eq3A_1 : i1 to i32
    %cond3A = arith.constant 0 : i32
    %cond3A_2 = arith.cmpi ne, %convert_element_type3A, %cond3A : i32
    scf.if %cond3A_2 {
      "tpu.region"() ({
        %run_scoped3A = tpu.sem_alloc : memref<!tpu.dma_semaphore, #tpu.memory_space<semaphore_mem>>
        tpu.enqueue_dma source(%arg5 : memref<10112x32xf32, #tpu.memory_space<hbm>>) target(%arg10 : memref<10112x32xf32, #tpu.memory_space<vmem_shared>>) target_semaphore(%run_scoped3A : memref<!tpu.dma_semaphore, #tpu.memory_space<semaphore_mem>>)
        tpu.wait_dma2 semaphore(%run_scoped3A : memref<!tpu.dma_semaphore, #tpu.memory_space<semaphore_mem>>) src(%arg5 : memref<10112x32xf32, #tpu.memory_space<hbm>>) dst(%arg10 : memref<10112x32xf32, #tpu.memory_space<vmem_shared>>)
        tpu.yield
      }) : () -> ()
    } else {
    }
    %barrier3A = arith.constant 0 : index
    tpu.barrier barrier_id(%barrier3A)
    %dma_start3A = arith.constant 0 : i32
    %dma_start3A_3 = arith.constant 0 : i32
    %dma_start3A_4 = arith.constant 0 : i32
    %dma_start3A_5 = arith.constant 0 : i32
    %dma_start3A_6 = tpu.memref_slice %arg9[%dma_start3A_3, %dma_start3A_4, %dma_start3A_5] : memref<8x128x32xf32, #tpu.memory_space<vmem>> -> memref<1x128x32xf32, #tpu.memory_space<vmem>>
    %dma_start3A_7 = tpu.memref_squeeze %dma_start3A_6 : memref<1x128x32xf32, #tpu.memory_space<vmem>> -> memref<128x32xf32, #tpu.memory_space<vmem>>
    %dma_start3A_8 = arith.constant 0 : i32
    %dma_start3A_9 = tpu.memref_slice %arg7[%dma_start3A, %dma_start3A_8] : memref<79x128xi32, #tpu.memory_space<vmem>> -> memref<1x128xi32, #tpu.memory_space<vmem>>
    %dma_start3A_10 = tpu.memref_squeeze %dma_start3A_9 : memref<1x128xi32, #tpu.memory_space<vmem>> -> memref<128xi32, #tpu.memory_space<vmem>>
    %dma_start3A_11 = arith.constant 0 : i32
    %dma_start3A_12 = arith.constant 0 : i32
    %dma_start3A_13 = tpu.memref_slice %arg2[%dma_start3A_11, %dma_start3A_12] : memref<10000x32xf32, #tpu.memory_space<hbm>> -> memref<10000x32xf32, #tpu.memory_space<hbm>>
    tpu.enqueue_indirect_dma source(%dma_start3A_13 : memref<10000x32xf32, #tpu.memory_space<hbm>>) target(%dma_start3A_7 : memref<128x32xf32, #tpu.memory_space<vmem>>) offsets(%dma_start3A_10 : memref<128xi32, #tpu.memory_space<vmem>>) semaphore(%arg11 : memref<!tpu.dma_semaphore, #tpu.memory_space<semaphore_mem>>)
    %dma_start3A_14 = arith.constant 1 : i32
    %dma_start3A_15 = arith.constant 1 : i32
    %dma_start3A_16 = arith.constant 0 : i32
    %dma_start3A_17 = arith.constant 0 : i32
    %dma_start3A_18 = tpu.memref_slice %arg9[%dma_start3A_15, %dma_start3A_16, %dma_start3A_17] : memref<8x128x32xf32, #tpu.memory_space<vmem>> -> memref<1x128x32xf32, #tpu.memory_space<vmem>>
    %dma_start3A_19 = tpu.memref_squeeze %dma_start3A_18 : memref<1x128x32xf32, #tpu.memory_space<vmem>> -> memref<128x32xf32, #tpu.memory_space<vmem>>
    %dma_start3A_20 = arith.constant 0 : i32
    %dma_start3A_21 = tpu.memref_slice %arg7[%dma_start3A_14, %dma_start3A_20] : memref<79x128xi32, #tpu.memory_space<vmem>> -> memref<1x128xi32, #tpu.memory_space<vmem>>
    %dma_start3A_22 = tpu.memref_squeeze %dma_start3A_21 : memref<1x128xi32, #tpu.memory_space<vmem>> -> memref<128xi32, #tpu.memory_space<vmem>>
    %dma_start3A_23 = arith.constant 0 : i32
    %dma_start3A_24 = arith.constant 0 : i32
    %dma_start3A_25 = tpu.memref_slice %arg2[%dma_start3A_23, %dma_start3A_24] : memref<10000x32xf32, #tpu.memory_space<hbm>> -> memref<10000x32xf32, #tpu.memory_space<hbm>>
    tpu.enqueue_indirect_dma source(%dma_start3A_25 : memref<10000x32xf32, #tpu.memory_space<hbm>>) target(%dma_start3A_19 : memref<128x32xf32, #tpu.memory_space<vmem>>) offsets(%dma_start3A_22 : memref<128xi32, #tpu.memory_space<vmem>>) semaphore(%arg11 : memref<!tpu.dma_semaphore, #tpu.memory_space<semaphore_mem>>)
    %dma_start3A_26 = arith.constant 2 : i32
    %dma_start3A_27 = arith.constant 2 : i32
    %dma_start3A_28 = arith.constant 0 : i32
    %dma_start3A_29 = arith.constant 0 : i32
    %dma_start3A_30 = tpu.memref_slice %arg9[%dma_start3A_27, %dma_start3A_28, %dma_start3A_29] : memref<8x128x32xf32, #tpu.memory_space<vmem>> -> memref<1x128x32xf32, #tpu.memory_space<vmem>>
    %dma_start3A_31 = tpu.memref_squeeze %dma_start3A_30 : memref<1x128x32xf32, #tpu.memory_space<vmem>> -> memref<128x32xf32, #tpu.memory_space<vmem>>
    %dma_start3A_32 = arith.constant 0 : i32
    %dma_start3A_33 = tpu.memref_slice %arg7[%dma_start3A_26, %dma_start3A_32] : memref<79x128xi32, #tpu.memory_space<vmem>> -> memref<1x128xi32, #tpu.memory_space<vmem>>
    %dma_start3A_34 = tpu.memref_squeeze %dma_start3A_33 : memref<1x128xi32, #tpu.memory_space<vmem>> -> memref<128xi32, #tpu.memory_space<vmem>>
    %dma_start3A_35 = arith.constant 0 : i32
    %dma_start3A_36 = arith.constant 0 : i32
    %dma_start3A_37 = tpu.memref_slice %arg2[%dma_start3A_35, %dma_start3A_36] : memref<10000x32xf32, #tpu.memory_space<hbm>> -> memref<10000x32xf32, #tpu.memory_space<hbm>>
    tpu.enqueue_indirect_dma source(%dma_start3A_37 : memref<10000x32xf32, #tpu.memory_space<hbm>>) target(%dma_start3A_31 : memref<128x32xf32, #tpu.memory_space<vmem>>) offsets(%dma_start3A_34 : memref<128xi32, #tpu.memory_space<vmem>>) semaphore(%arg11 : memref<!tpu.dma_semaphore, #tpu.memory_space<semaphore_mem>>)
    %dma_start3A_38 = arith.constant 3 : i32
    %dma_start3A_39 = arith.constant 3 : i32
    %dma_start3A_40 = arith.constant 0 : i32
    %dma_start3A_41 = arith.constant 0 : i32
    %dma_start3A_42 = tpu.memref_slice %arg9[%dma_start3A_39, %dma_start3A_40, %dma_start3A_41] : memref<8x128x32xf32, #tpu.memory_space<vmem>> -> memref<1x128x32xf32, #tpu.memory_space<vmem>>
    %dma_start3A_43 = tpu.memref_squeeze %dma_start3A_42 : memref<1x128x32xf32, #tpu.memory_space<vmem>> -> memref<128x32xf32, #tpu.memory_space<vmem>>
    %dma_start3A_44 = arith.constant 0 : i32
    %dma_start3A_45 = tpu.memref_slice %arg7[%dma_start3A_38, %dma_start3A_44] : memref<79x128xi32, #tpu.memory_space<vmem>> -> memref<1x128xi32, #tpu.memory_space<vmem>>
    %dma_start3A_46 = tpu.memref_squeeze %dma_start3A_45 : memref<1x128xi32, #tpu.memory_space<vmem>> -> memref<128xi32, #tpu.memory_space<vmem>>
    %dma_start3A_47 = arith.constant 0 : i32
    %dma_start3A_48 = arith.constant 0 : i32
    %dma_start3A_49 = tpu.memref_slice %arg2[%dma_start3A_47, %dma_start3A_48] : memref<10000x32xf32, #tpu.memory_space<hbm>> -> memref<10000x32xf32, #tpu.memory_space<hbm>>
    tpu.enqueue_indirect_dma source(%dma_start3A_49 : memref<10000x32xf32, #tpu.memory_space<hbm>>) target(%dma_start3A_43 : memref<128x32xf32, #tpu.memory_space<vmem>>) offsets(%dma_start3A_46 : memref<128xi32, #tpu.memory_space<vmem>>) semaphore(%arg11 : memref<!tpu.dma_semaphore, #tpu.memory_space<semaphore_mem>>)
    %dma_start3A_50 = arith.constant 4 : i32
    %dma_start3A_51 = arith.constant 4 : i32
    %dma_start3A_52 = arith.constant 0 : i32
    %dma_start3A_53 = arith.constant 0 : i32
    %dma_start3A_54 = tpu.memref_slice %arg9[%dma_start3A_51, %dma_start3A_52, %dma_start3A_53] : memref<8x128x32xf32, #tpu.memory_space<vmem>> -> memref<1x128x32xf32, #tpu.memory_space<vmem>>
    %dma_start3A_55 = tpu.memref_squeeze %dma_start3A_54 : memref<1x128x32xf32, #tpu.memory_space<vmem>> -> memref<128x32xf32, #tpu.memory_space<vmem>>
    %dma_start3A_56 = arith.constant 0 : i32
    %dma_start3A_57 = tpu.memref_slice %arg7[%dma_start3A_50, %dma_start3A_56] : memref<79x128xi32, #tpu.memory_space<vmem>> -> memref<1x128xi32, #tpu.memory_space<vmem>>
    %dma_start3A_58 = tpu.memref_squeeze %dma_start3A_57 : memref<1x128xi32, #tpu.memory_space<vmem>> -> memref<128xi32, #tpu.memory_space<vmem>>
    %dma_start3A_59 = arith.constant 0 : i32
    %dma_start3A_60 = arith.constant 0 : i32
    %dma_start3A_61 = tpu.memref_slice %arg2[%dma_start3A_59, %dma_start3A_60] : memref<10000x32xf32, #tpu.memory_space<hbm>> -> memref<10000x32xf32, #tpu.memory_space<hbm>>
    tpu.enqueue_indirect_dma source(%dma_start3A_61 : memref<10000x32xf32, #tpu.memory_space<hbm>>) target(%dma_start3A_55 : memref<128x32xf32, #tpu.memory_space<vmem>>) offsets(%dma_start3A_58 : memref<128xi32, #tpu.memory_space<vmem>>) semaphore(%arg11 : memref<!tpu.dma_semaphore, #tpu.memory_space<semaphore_mem>>)
    %dma_start3A_62 = arith.constant 5 : i32
    %dma_start3A_63 = arith.constant 5 : i32
    %dma_start3A_64 = arith.constant 0 : i32
    %dma_start3A_65 = arith.constant 0 : i32
    %dma_start3A_66 = tpu.memref_slice %arg9[%dma_start3A_63, %dma_start3A_64, %dma_start3A_65] : memref<8x128x32xf32, #tpu.memory_space<vmem>> -> memref<1x128x32xf32, #tpu.memory_space<vmem>>
    %dma_start3A_67 = tpu.memref_squeeze %dma_start3A_66 : memref<1x128x32xf32, #tpu.memory_space<vmem>> -> memref<128x32xf32, #tpu.memory_space<vmem>>
    %dma_start3A_68 = arith.constant 0 : i32
    %dma_start3A_69 = tpu.memref_slice %arg7[%dma_start3A_62, %dma_start3A_68] : memref<79x128xi32, #tpu.memory_space<vmem>> -> memref<1x128xi32, #tpu.memory_space<vmem>>
    %dma_start3A_70 = tpu.memref_squeeze %dma_start3A_69 : memref<1x128xi32, #tpu.memory_space<vmem>> -> memref<128xi32, #tpu.memory_space<vmem>>
    %dma_start3A_71 = arith.constant 0 : i32
    %dma_start3A_72 = arith.constant 0 : i32
    %dma_start3A_73 = tpu.memref_slice %arg2[%dma_start3A_71, %dma_start3A_72] : memref<10000x32xf32, #tpu.memory_space<hbm>> -> memref<10000x32xf32, #tpu.memory_space<hbm>>
    tpu.enqueue_indirect_dma source(%dma_start3A_73 : memref<10000x32xf32, #tpu.memory_space<hbm>>) target(%dma_start3A_67 : memref<128x32xf32, #tpu.memory_space<vmem>>) offsets(%dma_start3A_70 : memref<128xi32, #tpu.memory_space<vmem>>) semaphore(%arg11 : memref<!tpu.dma_semaphore, #tpu.memory_space<semaphore_mem>>)
    %dma_start3A_74 = arith.constant 6 : i32
    %dma_start3A_75 = arith.constant 6 : i32
    %dma_start3A_76 = arith.constant 0 : i32
    %dma_start3A_77 = arith.constant 0 : i32
    %dma_start3A_78 = tpu.memref_slice %arg9[%dma_start3A_75, %dma_start3A_76, %dma_start3A_77] : memref<8x128x32xf32, #tpu.memory_space<vmem>> -> memref<1x128x32xf32, #tpu.memory_space<vmem>>
    %dma_start3A_79 = tpu.memref_squeeze %dma_start3A_78 : memref<1x128x32xf32, #tpu.memory_space<vmem>> -> memref<128x32xf32, #tpu.memory_space<vmem>>
    %dma_start3A_80 = arith.constant 0 : i32
    %dma_start3A_81 = tpu.memref_slice %arg7[%dma_start3A_74, %dma_start3A_80] : memref<79x128xi32, #tpu.memory_space<vmem>> -> memref<1x128xi32, #tpu.memory_space<vmem>>
    %dma_start3A_82 = tpu.memref_squeeze %dma_start3A_81 : memref<1x128xi32, #tpu.memory_space<vmem>> -> memref<128xi32, #tpu.memory_space<vmem>>
    %dma_start3A_83 = arith.constant 0 : i32
    %dma_start3A_84 = arith.constant 0 : i32
    %dma_start3A_85 = tpu.memref_slice %arg2[%dma_start3A_83, %dma_start3A_84] : memref<10000x32xf32, #tpu.memory_space<hbm>> -> memref<10000x32xf32, #tpu.memory_space<hbm>>
    tpu.enqueue_indirect_dma source(%dma_start3A_85 : memref<10000x32xf32, #tpu.memory_space<hbm>>) target(%dma_start3A_79 : memref<128x32xf32, #tpu.memory_space<vmem>>) offsets(%dma_start3A_82 : memref<128xi32, #tpu.memory_space<vmem>>) semaphore(%arg11 : memref<!tpu.dma_semaphore, #tpu.memory_space<semaphore_mem>>)
    %scan3A = arith.constant 0 : i32
    %scan3A_86 = arith.constant 0 : i32
    %scan3A_87 = arith.constant 79 : i32
    %scan3A_88 = arith.addi %scan3A_86, %scan3A_87 : i32
    %scan3A_89 = arith.constant 1 : i32
    scf.for %scan3A_191 = %scan3A_86 to %scan3A_88 step %scan3A_89  : i32 {
      %jit3A = arith.constant 8 : i32
      %eq3A_192 = arith.constant 0 : i32
      %eq3A_193 = arith.cmpi eq, %jit3A, %eq3A_192 : i32
      %jit3A_194 = arith.constant 1 : i32
      %select_n3A = arith.select %eq3A_193, %jit3A_194, %jit3A : i32
      %rem3A = arith.remsi %scan3A_191, %select_n3A : i32
      %ne3A = arith.constant 0 : i32
      %ne3A_195 = arith.cmpi ne, %rem3A, %ne3A : i32
      %lt3A = arith.constant 0 : i32
      %lt3A_196 = arith.cmpi slt, %rem3A, %lt3A : i32
      %lt3A_197 = arith.constant 0 : i32
      %lt3A_198 = arith.cmpi slt, %select_n3A, %lt3A_197 : i32
      %ne3A_199 = arith.xori %lt3A_196, %lt3A_198 : i1
      %and3A = arith.andi %ne3A_199, %ne3A_195 : i1
      %add3A_200 = arith.addi %rem3A, %select_n3A : i32
      %select_n3A_201 = arith.select %and3A, %add3A_200, %rem3A : i32
      %dma_wait3A_202 = arith.constant 0 : i32
      %dma_wait3A_203 = arith.constant 0 : i32
      %dma_wait3A_204 = tpu.memref_slice %arg9[%select_n3A_201, %dma_wait3A_202, %dma_wait3A_203] : memref<8x128x32xf32, #tpu.memory_space<vmem>> -> memref<1x128x32xf32, #tpu.memory_space<vmem>>
      %dma_wait3A_205 = tpu.memref_squeeze %dma_wait3A_204 : memref<1x128x32xf32, #tpu.memory_space<vmem>> -> memref<128x32xf32, #tpu.memory_space<vmem>>
      %dma_wait3A_206 = arith.constant 0 : i32
      %dma_wait3A_207 = tpu.memref_slice %arg7[%scan3A_191, %dma_wait3A_206] : memref<79x128xi32, #tpu.memory_space<vmem>> -> memref<1x128xi32, #tpu.memory_space<vmem>>
      %dma_wait3A_208 = tpu.memref_squeeze %dma_wait3A_207 : memref<1x128xi32, #tpu.memory_space<vmem>> -> memref<128xi32, #tpu.memory_space<vmem>>
      %dma_wait3A_209 = arith.constant 0 : i32
      %dma_wait3A_210 = arith.constant 0 : i32
      %dma_wait3A_211 = tpu.memref_slice %arg2[%dma_wait3A_209, %dma_wait3A_210] : memref<10000x32xf32, #tpu.memory_space<hbm>> -> memref<10000x32xf32, #tpu.memory_space<hbm>>
      tpu.wait_indirect_dma semaphore(%arg11 : memref<!tpu.dma_semaphore, #tpu.memory_space<semaphore_mem>>) src(%dma_wait3A_211 : memref<10000x32xf32, #tpu.memory_space<hbm>>) dst(%dma_wait3A_205 : memref<128x32xf32, #tpu.memory_space<vmem>>)
      %jit3A_212 = arith.constant 8 : i32
      %eq3A_213 = arith.constant 0 : i32
      %eq3A_214 = arith.cmpi eq, %jit3A_212, %eq3A_213 : i32
      %jit3A_215 = arith.constant 1 : i32
      %select_n3A_216 = arith.select %eq3A_214, %jit3A_215, %jit3A_212 : i32
      %rem3A_217 = arith.remsi %scan3A_191, %select_n3A_216 : i32
      %ne3A_218 = arith.constant 0 : i32
      %ne3A_219 = arith.cmpi ne, %rem3A_217, %ne3A_218 : i32
      %lt3A_220 = arith.constant 0 : i32
      %lt3A_221 = arith.cmpi slt, %rem3A_217, %lt3A_220 : i32
      %lt3A_222 = arith.constant 0 : i32
      %lt3A_223 = arith.cmpi slt, %select_n3A_216, %lt3A_222 : i32
      %ne3A_224 = arith.xori %lt3A_221, %lt3A_223 : i1
      %and3A_225 = arith.andi %ne3A_224, %ne3A_219 : i1
      %add3A_226 = arith.addi %rem3A_217, %select_n3A_216 : i32
      %select_n3A_227 = arith.select %and3A_225, %add3A_226, %rem3A_217 : i32
      %dma_start3A_228 = arith.constant 0 : i32
      %dma_start3A_229 = arith.constant 0 : i32
      %dma_start3A_230 = tpu.memref_slice %arg9[%select_n3A_227, %dma_start3A_228, %dma_start3A_229] : memref<8x128x32xf32, #tpu.memory_space<vmem>> -> memref<1x128x32xf32, #tpu.memory_space<vmem>>
      %dma_start3A_231 = tpu.memref_squeeze %dma_start3A_230 : memref<1x128x32xf32, #tpu.memory_space<vmem>> -> memref<128x32xf32, #tpu.memory_space<vmem>>
      %dma_start3A_232 = arith.constant 0 : i32
      %dma_start3A_233 = tpu.memref_slice %arg8[%scan3A_191, %dma_start3A_232] : memref<79x128xi32, #tpu.memory_space<vmem>> -> memref<1x128xi32, #tpu.memory_space<vmem>>
      %dma_start3A_234 = tpu.memref_squeeze %dma_start3A_233 : memref<1x128xi32, #tpu.memory_space<vmem>> -> memref<128xi32, #tpu.memory_space<vmem>>
      %dma_start3A_235 = arith.constant 0 : i32
      %dma_start3A_236 = arith.constant 0 : i32
      %dma_start3A_237 = tpu.memref_slice %arg10[%dma_start3A_235, %dma_start3A_236] : memref<10112x32xf32, #tpu.memory_space<vmem_shared>> -> memref<10112x32xf32, #tpu.memory_space<vmem_shared>>
      tpu.enqueue_indirect_dma source(%dma_start3A_231 : memref<128x32xf32, #tpu.memory_space<vmem>>) target(%dma_start3A_237 : memref<10112x32xf32, #tpu.memory_space<vmem_shared>>) offsets(%dma_start3A_234 : memref<128xi32, #tpu.memory_space<vmem>>) semaphore(%arg12 : memref<!tpu.dma_semaphore, #tpu.memory_space<semaphore_mem>>) {add = true}
      %add3A_238 = arith.constant 8 : i32
      %add3A_239 = arith.addi %scan3A_191, %add3A_238 : i32
      %sub3A = arith.constant 1 : i32
      %sub3A_240 = arith.subi %add3A_239, %sub3A : i32
      %lt3A_241 = arith.constant 79 : i32
      %lt3A_242 = arith.cmpi slt, %sub3A_240, %lt3A_241 : i32
      %convert_element_type3A_243 = arith.extui %lt3A_242 : i1 to i32
      %cond3A_244 = arith.constant 0 : i32
      %cond3A_245 = arith.cmpi ne, %convert_element_type3A_243, %cond3A_244 : i32
      scf.if %cond3A_245 {
        %ge3A = arith.constant 1 : i32
        %ge3A_246 = arith.cmpi sge, %scan3A_191, %ge3A : i32
        %convert_element_type3A_247 = arith.extui %ge3A_246 : i1 to i32
        %cond3A_248 = arith.constant 0 : i32
        %cond3A_249 = arith.cmpi ne, %convert_element_type3A_247, %cond3A_248 : i32
        scf.if %cond3A_249 {
          %jit3A_284 = arith.constant 8 : i32
          %eq3A_285 = arith.constant 0 : i32
          %eq3A_286 = arith.cmpi eq, %jit3A_284, %eq3A_285 : i32
          %jit3A_287 = arith.constant 1 : i32
          %select_n3A_288 = arith.select %eq3A_286, %jit3A_287, %jit3A_284 : i32
          %rem3A_289 = arith.remsi %scan3A_191, %select_n3A_288 : i32
          %ne3A_290 = arith.constant 0 : i32
          %ne3A_291 = arith.cmpi ne, %rem3A_289, %ne3A_290 : i32
          %lt3A_292 = arith.constant 0 : i32
          %lt3A_293 = arith.cmpi slt, %rem3A_289, %lt3A_292 : i32
          %lt3A_294 = arith.constant 0 : i32
          %lt3A_295 = arith.cmpi slt, %select_n3A_288, %lt3A_294 : i32
          %ne3A_296 = arith.xori %lt3A_293, %lt3A_295 : i1
          %and3A_297 = arith.andi %ne3A_296, %ne3A_291 : i1
          %add3A_298 = arith.addi %rem3A_289, %select_n3A_288 : i32
          %select_n3A_299 = arith.select %and3A_297, %add3A_298, %rem3A_289 : i32
          %dma_wait3A_300 = arith.constant 0 : i32
          %dma_wait3A_301 = arith.constant 0 : i32
          %dma_wait3A_302 = tpu.memref_slice %arg9[%select_n3A_299, %dma_wait3A_300, %dma_wait3A_301] : memref<8x128x32xf32, #tpu.memory_space<vmem>> -> memref<1x128x32xf32, #tpu.memory_space<vmem>>
          %dma_wait3A_303 = tpu.memref_squeeze %dma_wait3A_302 : memref<1x128x32xf32, #tpu.memory_space<vmem>> -> memref<128x32xf32, #tpu.memory_space<vmem>>
          %dma_wait3A_304 = arith.constant 0 : i32
          %dma_wait3A_305 = tpu.memref_slice %arg8[%scan3A_191, %dma_wait3A_304] : memref<79x128xi32, #tpu.memory_space<vmem>> -> memref<1x128xi32, #tpu.memory_space<vmem>>
          %dma_wait3A_306 = tpu.memref_squeeze %dma_wait3A_305 : memref<1x128xi32, #tpu.memory_space<vmem>> -> memref<128xi32, #tpu.memory_space<vmem>>
          %dma_wait3A_307 = arith.constant 0 : i32
          %dma_wait3A_308 = arith.constant 0 : i32
          %dma_wait3A_309 = tpu.memref_slice %arg10[%dma_wait3A_307, %dma_wait3A_308] : memref<10112x32xf32, #tpu.memory_space<vmem_shared>> -> memref<10112x32xf32, #tpu.memory_space<vmem_shared>>
          tpu.wait_indirect_dma semaphore(%arg12 : memref<!tpu.dma_semaphore, #tpu.memory_space<semaphore_mem>>) src(%dma_wait3A_303 : memref<128x32xf32, #tpu.memory_space<vmem>>) dst(%dma_wait3A_309 : memref<10112x32xf32, #tpu.memory_space<vmem_shared>>)
        } else {
        }
        %add3A_250 = arith.constant 8 : i32
        %add3A_251 = arith.addi %scan3A_191, %add3A_250 : i32
        %sub3A_252 = arith.constant 1 : i32
        %sub3A_253 = arith.subi %add3A_251, %sub3A_252 : i32
        %add3A_254 = arith.constant 8 : i32
        %add3A_255 = arith.addi %scan3A_191, %add3A_254 : i32
        %sub3A_256 = arith.constant 1 : i32
        %sub3A_257 = arith.subi %add3A_255, %sub3A_256 : i32
        %jit3A_258 = arith.constant 8 : i32
        %eq3A_259 = arith.constant 0 : i32
        %eq3A_260 = arith.cmpi eq, %jit3A_258, %eq3A_259 : i32
        %jit3A_261 = arith.constant 1 : i32
        %select_n3A_262 = arith.select %eq3A_260, %jit3A_261, %jit3A_258 : i32
        %rem3A_263 = arith.remsi %sub3A_257, %select_n3A_262 : i32
        %ne3A_264 = arith.constant 0 : i32
        %ne3A_265 = arith.cmpi ne, %rem3A_263, %ne3A_264 : i32
        %lt3A_266 = arith.constant 0 : i32
        %lt3A_267 = arith.cmpi slt, %rem3A_263, %lt3A_266 : i32
        %lt3A_268 = arith.constant 0 : i32
        %lt3A_269 = arith.cmpi slt, %select_n3A_262, %lt3A_268 : i32
        %ne3A_270 = arith.xori %lt3A_267, %lt3A_269 : i1
        %and3A_271 = arith.andi %ne3A_270, %ne3A_265 : i1
        %add3A_272 = arith.addi %rem3A_263, %select_n3A_262 : i32
        %select_n3A_273 = arith.select %and3A_271, %add3A_272, %rem3A_263 : i32
        %dma_start3A_274 = arith.constant 0 : i32
        %dma_start3A_275 = arith.constant 0 : i32
        %dma_start3A_276 = tpu.memref_slice %arg9[%select_n3A_273, %dma_start3A_274, %dma_start3A_275] : memref<8x128x32xf32, #tpu.memory_space<vmem>> -> memref<1x128x32xf32, #tpu.memory_space<vmem>>
        %dma_start3A_277 = tpu.memref_squeeze %dma_start3A_276 : memref<1x128x32xf32, #tpu.memory_space<vmem>> -> memref<128x32xf32, #tpu.memory_space<vmem>>
        %dma_start3A_278 = arith.constant 0 : i32
        %dma_start3A_279 = tpu.memref_slice %arg7[%sub3A_253, %dma_start3A_278] : memref<79x128xi32, #tpu.memory_space<vmem>> -> memref<1x128xi32, #tpu.memory_space<vmem>>
        %dma_start3A_280 = tpu.memref_squeeze %dma_start3A_279 : memref<1x128xi32, #tpu.memory_space<vmem>> -> memref<128xi32, #tpu.memory_space<vmem>>
        %dma_start3A_281 = arith.constant 0 : i32
        %dma_start3A_282 = arith.constant 0 : i32
        %dma_start3A_283 = tpu.memref_slice %arg2[%dma_start3A_281, %dma_start3A_282] : memref<10000x32xf32, #tpu.memory_space<hbm>> -> memref<10000x32xf32, #tpu.memory_space<hbm>>
        tpu.enqueue_indirect_dma source(%dma_start3A_283 : memref<10000x32xf32, #tpu.memory_space<hbm>>) target(%dma_start3A_277 : memref<128x32xf32, #tpu.memory_space<vmem>>) offsets(%dma_start3A_280 : memref<128xi32, #tpu.memory_space<vmem>>) semaphore(%arg11 : memref<!tpu.dma_semaphore, #tpu.memory_space<semaphore_mem>>)
      } else {
      }
    }
    %scan3A_90 = arith.constant 79 : i32
    %dma_wait3A = arith.constant 0 : i32
    %dma_wait3A_91 = arith.constant 0 : i32
    %dma_wait3A_92 = arith.constant 0 : i32
    %dma_wait3A_93 = arith.constant 0 : i32
    %dma_wait3A_94 = tpu.memref_slice %arg9[%dma_wait3A, %dma_wait3A_92, %dma_wait3A_93] : memref<8x128x32xf32, #tpu.memory_space<vmem>> -> memref<1x128x32xf32, #tpu.memory_space<vmem>>
    %dma_wait3A_95 = tpu.memref_squeeze %dma_wait3A_94 : memref<1x128x32xf32, #tpu.memory_space<vmem>> -> memref<128x32xf32, #tpu.memory_space<vmem>>
    %dma_wait3A_96 = arith.constant 0 : i32
    %dma_wait3A_97 = tpu.memref_slice %arg8[%dma_wait3A_91, %dma_wait3A_96] : memref<79x128xi32, #tpu.memory_space<vmem>> -> memref<1x128xi32, #tpu.memory_space<vmem>>
    %dma_wait3A_98 = tpu.memref_squeeze %dma_wait3A_97 : memref<1x128xi32, #tpu.memory_space<vmem>> -> memref<128xi32, #tpu.memory_space<vmem>>
    %dma_wait3A_99 = arith.constant 0 : i32
    %dma_wait3A_100 = arith.constant 0 : i32
    %dma_wait3A_101 = tpu.memref_slice %arg10[%dma_wait3A_99, %dma_wait3A_100] : memref<10112x32xf32, #tpu.memory_space<vmem_shared>> -> memref<10112x32xf32, #tpu.memory_space<vmem_shared>>
    tpu.wait_indirect_dma semaphore(%arg12 : memref<!tpu.dma_semaphore, #tpu.memory_space<semaphore_mem>>) src(%dma_wait3A_95 : memref<128x32xf32, #tpu.memory_space<vmem>>) dst(%dma_wait3A_101 : memref<10112x32xf32, #tpu.memory_space<vmem_shared>>)
    %dma_wait3A_102 = arith.constant 1 : i32
    %dma_wait3A_103 = arith.constant 1 : i32
    %dma_wait3A_104 = arith.constant 0 : i32
    %dma_wait3A_105 = arith.constant 0 : i32
    %dma_wait3A_106 = tpu.memref_slice %arg9[%dma_wait3A_102, %dma_wait3A_104, %dma_wait3A_105] : memref<8x128x32xf32, #tpu.memory_space<vmem>> -> memref<1x128x32xf32, #tpu.memory_space<vmem>>
    %dma_wait3A_107 = tpu.memref_squeeze %dma_wait3A_106 : memref<1x128x32xf32, #tpu.memory_space<vmem>> -> memref<128x32xf32, #tpu.memory_space<vmem>>
    %dma_wait3A_108 = arith.constant 0 : i32
    %dma_wait3A_109 = tpu.memref_slice %arg8[%dma_wait3A_103, %dma_wait3A_108] : memref<79x128xi32, #tpu.memory_space<vmem>> -> memref<1x128xi32, #tpu.memory_space<vmem>>
    %dma_wait3A_110 = tpu.memref_squeeze %dma_wait3A_109 : memref<1x128xi32, #tpu.memory_space<vmem>> -> memref<128xi32, #tpu.memory_space<vmem>>
    %dma_wait3A_111 = arith.constant 0 : i32
    %dma_wait3A_112 = arith.constant 0 : i32
    %dma_wait3A_113 = tpu.memref_slice %arg10[%dma_wait3A_111, %dma_wait3A_112] : memref<10112x32xf32, #tpu.memory_space<vmem_shared>> -> memref<10112x32xf32, #tpu.memory_space<vmem_shared>>
    tpu.wait_indirect_dma semaphore(%arg12 : memref<!tpu.dma_semaphore, #tpu.memory_space<semaphore_mem>>) src(%dma_wait3A_107 : memref<128x32xf32, #tpu.memory_space<vmem>>) dst(%dma_wait3A_113 : memref<10112x32xf32, #tpu.memory_space<vmem_shared>>)
    %dma_wait3A_114 = arith.constant 2 : i32
    %dma_wait3A_115 = arith.constant 2 : i32
    %dma_wait3A_116 = arith.constant 0 : i32
    %dma_wait3A_117 = arith.constant 0 : i32
    %dma_wait3A_118 = tpu.memref_slice %arg9[%dma_wait3A_114, %dma_wait3A_116, %dma_wait3A_117] : memref<8x128x32xf32, #tpu.memory_space<vmem>> -> memref<1x128x32xf32, #tpu.memory_space<vmem>>
    %dma_wait3A_119 = tpu.memref_squeeze %dma_wait3A_118 : memref<1x128x32xf32, #tpu.memory_space<vmem>> -> memref<128x32xf32, #tpu.memory_space<vmem>>
    %dma_wait3A_120 = arith.constant 0 : i32
    %dma_wait3A_121 = tpu.memref_slice %arg8[%dma_wait3A_115, %dma_wait3A_120] : memref<79x128xi32, #tpu.memory_space<vmem>> -> memref<1x128xi32, #tpu.memory_space<vmem>>
    %dma_wait3A_122 = tpu.memref_squeeze %dma_wait3A_121 : memref<1x128xi32, #tpu.memory_space<vmem>> -> memref<128xi32, #tpu.memory_space<vmem>>
    %dma_wait3A_123 = arith.constant 0 : i32
    %dma_wait3A_124 = arith.constant 0 : i32
    %dma_wait3A_125 = tpu.memref_slice %arg10[%dma_wait3A_123, %dma_wait3A_124] : memref<10112x32xf32, #tpu.memory_space<vmem_shared>> -> memref<10112x32xf32, #tpu.memory_space<vmem_shared>>
    tpu.wait_indirect_dma semaphore(%arg12 : memref<!tpu.dma_semaphore, #tpu.memory_space<semaphore_mem>>) src(%dma_wait3A_119 : memref<128x32xf32, #tpu.memory_space<vmem>>) dst(%dma_wait3A_125 : memref<10112x32xf32, #tpu.memory_space<vmem_shared>>)
    %dma_wait3A_126 = arith.constant 3 : i32
    %dma_wait3A_127 = arith.constant 3 : i32
    %dma_wait3A_128 = arith.constant 0 : i32
    %dma_wait3A_129 = arith.constant 0 : i32
    %dma_wait3A_130 = tpu.memref_slice %arg9[%dma_wait3A_126, %dma_wait3A_128, %dma_wait3A_129] : memref<8x128x32xf32, #tpu.memory_space<vmem>> -> memref<1x128x32xf32, #tpu.memory_space<vmem>>
    %dma_wait3A_131 = tpu.memref_squeeze %dma_wait3A_130 : memref<1x128x32xf32, #tpu.memory_space<vmem>> -> memref<128x32xf32, #tpu.memory_space<vmem>>
    %dma_wait3A_132 = arith.constant 0 : i32
    %dma_wait3A_133 = tpu.memref_slice %arg8[%dma_wait3A_127, %dma_wait3A_132] : memref<79x128xi32, #tpu.memory_space<vmem>> -> memref<1x128xi32, #tpu.memory_space<vmem>>
    %dma_wait3A_134 = tpu.memref_squeeze %dma_wait3A_133 : memref<1x128xi32, #tpu.memory_space<vmem>> -> memref<128xi32, #tpu.memory_space<vmem>>
    %dma_wait3A_135 = arith.constant 0 : i32
    %dma_wait3A_136 = arith.constant 0 : i32
    %dma_wait3A_137 = tpu.memref_slice %arg10[%dma_wait3A_135, %dma_wait3A_136] : memref<10112x32xf32, #tpu.memory_space<vmem_shared>> -> memref<10112x32xf32, #tpu.memory_space<vmem_shared>>
    tpu.wait_indirect_dma semaphore(%arg12 : memref<!tpu.dma_semaphore, #tpu.memory_space<semaphore_mem>>) src(%dma_wait3A_131 : memref<128x32xf32, #tpu.memory_space<vmem>>) dst(%dma_wait3A_137 : memref<10112x32xf32, #tpu.memory_space<vmem_shared>>)
    %dma_wait3A_138 = arith.constant 4 : i32
    %dma_wait3A_139 = arith.constant 4 : i32
    %dma_wait3A_140 = arith.constant 0 : i32
    %dma_wait3A_141 = arith.constant 0 : i32
    %dma_wait3A_142 = tpu.memref_slice %arg9[%dma_wait3A_138, %dma_wait3A_140, %dma_wait3A_141] : memref<8x128x32xf32, #tpu.memory_space<vmem>> -> memref<1x128x32xf32, #tpu.memory_space<vmem>>
    %dma_wait3A_143 = tpu.memref_squeeze %dma_wait3A_142 : memref<1x128x32xf32, #tpu.memory_space<vmem>> -> memref<128x32xf32, #tpu.memory_space<vmem>>
    %dma_wait3A_144 = arith.constant 0 : i32
    %dma_wait3A_145 = tpu.memref_slice %arg8[%dma_wait3A_139, %dma_wait3A_144] : memref<79x128xi32, #tpu.memory_space<vmem>> -> memref<1x128xi32, #tpu.memory_space<vmem>>
    %dma_wait3A_146 = tpu.memref_squeeze %dma_wait3A_145 : memref<1x128xi32, #tpu.memory_space<vmem>> -> memref<128xi32, #tpu.memory_space<vmem>>
    %dma_wait3A_147 = arith.constant 0 : i32
    %dma_wait3A_148 = arith.constant 0 : i32
    %dma_wait3A_149 = tpu.memref_slice %arg10[%dma_wait3A_147, %dma_wait3A_148] : memref<10112x32xf32, #tpu.memory_space<vmem_shared>> -> memref<10112x32xf32, #tpu.memory_space<vmem_shared>>
    tpu.wait_indirect_dma semaphore(%arg12 : memref<!tpu.dma_semaphore, #tpu.memory_space<semaphore_mem>>) src(%dma_wait3A_143 : memref<128x32xf32, #tpu.memory_space<vmem>>) dst(%dma_wait3A_149 : memref<10112x32xf32, #tpu.memory_space<vmem_shared>>)
    %dma_wait3A_150 = arith.constant 5 : i32
    %dma_wait3A_151 = arith.constant 5 : i32
    %dma_wait3A_152 = arith.constant 0 : i32
    %dma_wait3A_153 = arith.constant 0 : i32
    %dma_wait3A_154 = tpu.memref_slice %arg9[%dma_wait3A_150, %dma_wait3A_152, %dma_wait3A_153] : memref<8x128x32xf32, #tpu.memory_space<vmem>> -> memref<1x128x32xf32, #tpu.memory_space<vmem>>
    %dma_wait3A_155 = tpu.memref_squeeze %dma_wait3A_154 : memref<1x128x32xf32, #tpu.memory_space<vmem>> -> memref<128x32xf32, #tpu.memory_space<vmem>>
    %dma_wait3A_156 = arith.constant 0 : i32
    %dma_wait3A_157 = tpu.memref_slice %arg8[%dma_wait3A_151, %dma_wait3A_156] : memref<79x128xi32, #tpu.memory_space<vmem>> -> memref<1x128xi32, #tpu.memory_space<vmem>>
    %dma_wait3A_158 = tpu.memref_squeeze %dma_wait3A_157 : memref<1x128xi32, #tpu.memory_space<vmem>> -> memref<128xi32, #tpu.memory_space<vmem>>
    %dma_wait3A_159 = arith.constant 0 : i32
    %dma_wait3A_160 = arith.constant 0 : i32
    %dma_wait3A_161 = tpu.memref_slice %arg10[%dma_wait3A_159, %dma_wait3A_160] : memref<10112x32xf32, #tpu.memory_space<vmem_shared>> -> memref<10112x32xf32, #tpu.memory_space<vmem_shared>>
    tpu.wait_indirect_dma semaphore(%arg12 : memref<!tpu.dma_semaphore, #tpu.memory_space<semaphore_mem>>) src(%dma_wait3A_155 : memref<128x32xf32, #tpu.memory_space<vmem>>) dst(%dma_wait3A_161 : memref<10112x32xf32, #tpu.memory_space<vmem_shared>>)
    %dma_wait3A_162 = arith.constant 6 : i32
    %dma_wait3A_163 = arith.constant 6 : i32
    %dma_wait3A_164 = arith.constant 0 : i32
    %dma_wait3A_165 = arith.constant 0 : i32
    %dma_wait3A_166 = tpu.memref_slice %arg9[%dma_wait3A_162, %dma_wait3A_164, %dma_wait3A_165] : memref<8x128x32xf32, #tpu.memory_space<vmem>> -> memref<1x128x32xf32, #tpu.memory_space<vmem>>
    %dma_wait3A_167 = tpu.memref_squeeze %dma_wait3A_166 : memref<1x128x32xf32, #tpu.memory_space<vmem>> -> memref<128x32xf32, #tpu.memory_space<vmem>>
    %dma_wait3A_168 = arith.constant 0 : i32
    %dma_wait3A_169 = tpu.memref_slice %arg8[%dma_wait3A_163, %dma_wait3A_168] : memref<79x128xi32, #tpu.memory_space<vmem>> -> memref<1x128xi32, #tpu.memory_space<vmem>>
    %dma_wait3A_170 = tpu.memref_squeeze %dma_wait3A_169 : memref<1x128xi32, #tpu.memory_space<vmem>> -> memref<128xi32, #tpu.memory_space<vmem>>
    %dma_wait3A_171 = arith.constant 0 : i32
    %dma_wait3A_172 = arith.constant 0 : i32
    %dma_wait3A_173 = tpu.memref_slice %arg10[%dma_wait3A_171, %dma_wait3A_172] : memref<10112x32xf32, #tpu.memory_space<vmem_shared>> -> memref<10112x32xf32, #tpu.memory_space<vmem_shared>>
    tpu.wait_indirect_dma semaphore(%arg12 : memref<!tpu.dma_semaphore, #tpu.memory_space<semaphore_mem>>) src(%dma_wait3A_167 : memref<128x32xf32, #tpu.memory_space<vmem>>) dst(%dma_wait3A_173 : memref<10112x32xf32, #tpu.memory_space<vmem_shared>>)
    %dma_wait3A_174 = arith.constant 7 : i32
    %dma_wait3A_175 = arith.constant 7 : i32
    %dma_wait3A_176 = arith.constant 0 : i32
    %dma_wait3A_177 = arith.constant 0 : i32
    %dma_wait3A_178 = tpu.memref_slice %arg9[%dma_wait3A_174, %dma_wait3A_176, %dma_wait3A_177] : memref<8x128x32xf32, #tpu.memory_space<vmem>> -> memref<1x128x32xf32, #tpu.memory_space<vmem>>
    %dma_wait3A_179 = tpu.memref_squeeze %dma_wait3A_178 : memref<1x128x32xf32, #tpu.memory_space<vmem>> -> memref<128x32xf32, #tpu.memory_space<vmem>>
    %dma_wait3A_180 = arith.constant 0 : i32
    %dma_wait3A_181 = tpu.memref_slice %arg8[%dma_wait3A_175, %dma_wait3A_180] : memref<79x128xi32, #tpu.memory_space<vmem>> -> memref<1x128xi32, #tpu.memory_space<vmem>>
    %dma_wait3A_182 = tpu.memref_squeeze %dma_wait3A_181 : memref<1x128xi32, #tpu.memory_space<vmem>> -> memref<128xi32, #tpu.memory_space<vmem>>
    %dma_wait3A_183 = arith.constant 0 : i32
    %dma_wait3A_184 = arith.constant 0 : i32
    %dma_wait3A_185 = tpu.memref_slice %arg10[%dma_wait3A_183, %dma_wait3A_184] : memref<10112x32xf32, #tpu.memory_space<vmem_shared>> -> memref<10112x32xf32, #tpu.memory_space<vmem_shared>>
    tpu.wait_indirect_dma semaphore(%arg12 : memref<!tpu.dma_semaphore, #tpu.memory_space<semaphore_mem>>) src(%dma_wait3A_179 : memref<128x32xf32, #tpu.memory_space<vmem>>) dst(%dma_wait3A_185 : memref<10112x32xf32, #tpu.memory_space<vmem_shared>>)
    %barrier3A_186 = arith.constant 0 : index
    tpu.barrier barrier_id(%barrier3A_186)
    %mul3A_187 = arith.constant 632 : i32
    %mul3A_188 = arith.muli %arg1, %mul3A_187 : i32
    %mul3A_189 = arith.constant 632 : i32
    %mul3A_190 = arith.muli %arg1, %mul3A_189 : i32
    "tpu.region"() ({
      %run_scoped3A = tpu.sem_alloc : memref<!tpu.dma_semaphore, #tpu.memory_space<semaphore_mem>>
      %dma_start3A_191 = arith.constant 0 : i32
      %dma_start3A_192 = arith.constant 0 : i32
      %dma_start3A_193 = tpu.memref_slice %arg6[%arg0, %dma_start3A_191, %dma_start3A_192] : memref<2x10112x32xf32, #tpu.memory_space<hbm>> -> memref<1x10112x32xf32, #tpu.memory_space<hbm>>
      %dma_start3A_194 = tpu.memref_squeeze %dma_start3A_193 : memref<1x10112x32xf32, #tpu.memory_space<hbm>> -> memref<10112x32xf32, #tpu.memory_space<hbm>>
      %dma_start3A_195 = arith.constant 0 : i32
      %dma_start3A_196 = tpu.memref_slice %dma_start3A_194[%mul3A_190, %dma_start3A_195] : memref<10112x32xf32, #tpu.memory_space<hbm>> -> memref<632x32xf32, #tpu.memory_space<hbm>>
      %dma_start3A_197 = arith.constant 0 : i32
      %dma_start3A_198 = tpu.memref_slice %arg10[%mul3A_188, %dma_start3A_197] : memref<10112x32xf32, #tpu.memory_space<vmem_shared>> -> memref<632x32xf32, #tpu.memory_space<vmem_shared>>
      tpu.enqueue_dma source(%dma_start3A_198 : memref<632x32xf32, #tpu.memory_space<vmem_shared>>) target(%dma_start3A_196 : memref<632x32xf32, #tpu.memory_space<hbm>>) target_semaphore(%run_scoped3A : memref<!tpu.dma_semaphore, #tpu.memory_space<semaphore_mem>>)
      %dma_wait3A_199 = arith.constant 0 : i32
      %dma_wait3A_200 = arith.constant 0 : i32
      %dma_wait3A_201 = tpu.memref_slice %arg6[%arg0, %dma_wait3A_199, %dma_wait3A_200] : memref<2x10112x32xf32, #tpu.memory_space<hbm>> -> memref<1x10112x32xf32, #tpu.memory_space<hbm>>
      %dma_wait3A_202 = tpu.memref_squeeze %dma_wait3A_201 : memref<1x10112x32xf32, #tpu.memory_space<hbm>> -> memref<10112x32xf32, #tpu.memory_space<hbm>>
      %dma_wait3A_203 = arith.constant 0 : i32
      %dma_wait3A_204 = tpu.memref_slice %dma_wait3A_202[%mul3A_190, %dma_wait3A_203] : memref<10112x32xf32, #tpu.memory_space<hbm>> -> memref<632x32xf32, #tpu.memory_space<hbm>>
      %dma_wait3A_205 = arith.constant 0 : i32
      %dma_wait3A_206 = tpu.memref_slice %arg10[%mul3A_188, %dma_wait3A_205] : memref<10112x32xf32, #tpu.memory_space<vmem_shared>> -> memref<632x32xf32, #tpu.memory_space<vmem_shared>>
      tpu.wait_dma2 semaphore(%run_scoped3A : memref<!tpu.dma_semaphore, #tpu.memory_space<semaphore_mem>>) src(%dma_wait3A_206 : memref<632x32xf32, #tpu.memory_space<vmem_shared>>) dst(%dma_wait3A_204 : memref<632x32xf32, #tpu.memory_space<hbm>>)
      tpu.yield
    }) : () -> ()
    return
  }
}

#map = affine_map<(d0, d1) -> (0, 0, 0)>
#map1 = affine_map<(d0, d1) -> (0, 0)>
module attributes {stable_mosaic.version = 14 : i64} {
  func.func @_sc_deg_body(%arg0: i32, %arg1: i32, %arg2: memref<32x79x128xi32, #tpu.memory_space<hbm>>, %arg3: memref<10112x8xf32, #tpu.memory_space<hbm>>, %arg4: memref<128x8xf32, #tpu.memory_space<hbm>>, %arg5: memref<2x10112x8xf32, #tpu.memory_space<hbm>>, %arg6: memref<79x128xi32, #tpu.memory_space<vmem>>, %arg7: memref<128x8xf32, #tpu.memory_space<vmem>>, %arg8: memref<10112x8xf32, #tpu.memory_space<vmem_shared>>) attributes {dimension_semantics = [#tpu.dimension_semantics<core_parallel>, #tpu.dimension_semantics<subcore_parallel>], iteration_bounds = array<i64: 2, 16>, scalar_prefetch = 0 : i64, scratch_operands = 3 : i64, tpu.core_type = #tpu.core_type<sc_vector_subcore>, window_params = [{transform_indices = #map}, {transform_indices = #map1}, {transform_indices = #map1}, {transform_indices = #map}]} {
    %mul3A = arith.constant 16 : i32
    %mul3A_0 = arith.muli %arg0, %mul3A : i32
    %add3A = arith.addi %mul3A_0, %arg1 : i32
    "tpu.region"() ({
      %run_scoped3A = tpu.sem_alloc : memref<!tpu.dma_semaphore, #tpu.memory_space<semaphore_mem>>
      %dma_start3A = arith.constant 0 : i32
      %dma_start3A_13 = arith.constant 0 : i32
      %dma_start3A_14 = tpu.memref_slice %arg2[%add3A, %dma_start3A, %dma_start3A_13] : memref<32x79x128xi32, #tpu.memory_space<hbm>> -> memref<1x79x128xi32, #tpu.memory_space<hbm>>
      %dma_start3A_15 = tpu.memref_squeeze %dma_start3A_14 : memref<1x79x128xi32, #tpu.memory_space<hbm>> -> memref<79x128xi32, #tpu.memory_space<hbm>>
      %dma_start3A_16 = arith.constant 0 : i32
      %dma_start3A_17 = arith.constant 0 : i32
      %dma_start3A_18 = tpu.memref_slice %arg2[%add3A, %dma_start3A_16, %dma_start3A_17] : memref<32x79x128xi32, #tpu.memory_space<hbm>> -> memref<1x79x128xi32, #tpu.memory_space<hbm>>
      %dma_start3A_19 = tpu.memref_squeeze %dma_start3A_18 : memref<1x79x128xi32, #tpu.memory_space<hbm>> -> memref<79x128xi32, #tpu.memory_space<hbm>>
      tpu.enqueue_dma source(%dma_start3A_19 : memref<79x128xi32, #tpu.memory_space<hbm>>) target(%arg6 : memref<79x128xi32, #tpu.memory_space<vmem>>) target_semaphore(%run_scoped3A : memref<!tpu.dma_semaphore, #tpu.memory_space<semaphore_mem>>)
      %dma_wait3A = arith.constant 0 : i32
      %dma_wait3A_20 = arith.constant 0 : i32
      %dma_wait3A_21 = tpu.memref_slice %arg2[%add3A, %dma_wait3A, %dma_wait3A_20] : memref<32x79x128xi32, #tpu.memory_space<hbm>> -> memref<1x79x128xi32, #tpu.memory_space<hbm>>
      %dma_wait3A_22 = tpu.memref_squeeze %dma_wait3A_21 : memref<1x79x128xi32, #tpu.memory_space<hbm>> -> memref<79x128xi32, #tpu.memory_space<hbm>>
      %dma_wait3A_23 = arith.constant 0 : i32
      %dma_wait3A_24 = arith.constant 0 : i32
      %dma_wait3A_25 = tpu.memref_slice %arg2[%add3A, %dma_wait3A_23, %dma_wait3A_24] : memref<32x79x128xi32, #tpu.memory_space<hbm>> -> memref<1x79x128xi32, #tpu.memory_space<hbm>>
      %dma_wait3A_26 = tpu.memref_squeeze %dma_wait3A_25 : memref<1x79x128xi32, #tpu.memory_space<hbm>> -> memref<79x128xi32, #tpu.memory_space<hbm>>
      tpu.wait_dma2 semaphore(%run_scoped3A : memref<!tpu.dma_semaphore, #tpu.memory_space<semaphore_mem>>) src(%dma_wait3A_26 : memref<79x128xi32, #tpu.memory_space<hbm>>) dst(%arg6 : memref<79x128xi32, #tpu.memory_space<vmem>>)
      tpu.yield
    }) : () -> ()
    "tpu.region"() ({
      %run_scoped3A = tpu.sem_alloc : memref<!tpu.dma_semaphore, #tpu.memory_space<semaphore_mem>>
      tpu.enqueue_dma source(%arg4 : memref<128x8xf32, #tpu.memory_space<hbm>>) target(%arg7 : memref<128x8xf32, #tpu.memory_space<vmem>>) target_semaphore(%run_scoped3A : memref<!tpu.dma_semaphore, #tpu.memory_space<semaphore_mem>>)
      tpu.wait_dma2 semaphore(%run_scoped3A : memref<!tpu.dma_semaphore, #tpu.memory_space<semaphore_mem>>) src(%arg4 : memref<128x8xf32, #tpu.memory_space<hbm>>) dst(%arg7 : memref<128x8xf32, #tpu.memory_space<vmem>>)
      tpu.yield
    }) : () -> ()
    %eq3A = arith.constant 0 : i32
    %eq3A_1 = arith.cmpi eq, %arg1, %eq3A : i32
    %convert_element_type3A = arith.extui %eq3A_1 : i1 to i32
    %cond3A = arith.constant 0 : i32
    %cond3A_2 = arith.cmpi ne, %convert_element_type3A, %cond3A : i32
    scf.if %cond3A_2 {
      "tpu.region"() ({
        %run_scoped3A = tpu.sem_alloc : memref<!tpu.dma_semaphore, #tpu.memory_space<semaphore_mem>>
        tpu.enqueue_dma source(%arg3 : memref<10112x8xf32, #tpu.memory_space<hbm>>) target(%arg8 : memref<10112x8xf32, #tpu.memory_space<vmem_shared>>) target_semaphore(%run_scoped3A : memref<!tpu.dma_semaphore, #tpu.memory_space<semaphore_mem>>)
        tpu.wait_dma2 semaphore(%run_scoped3A : memref<!tpu.dma_semaphore, #tpu.memory_space<semaphore_mem>>) src(%arg3 : memref<10112x8xf32, #tpu.memory_space<hbm>>) dst(%arg8 : memref<10112x8xf32, #tpu.memory_space<vmem_shared>>)
        tpu.yield
      }) : () -> ()
    } else {
    }
    %barrier3A = arith.constant 0 : index
    tpu.barrier barrier_id(%barrier3A)
    %scan3A = arith.constant 0 : i32
    %scan3A_3 = arith.constant 0 : i32
    %scan3A_4 = arith.constant 79 : i32
    %scan3A_5 = arith.addi %scan3A_3, %scan3A_4 : i32
    %scan3A_6 = arith.constant 1 : i32
    scf.for %scan3A_13 = %scan3A_3 to %scan3A_5 step %scan3A_6  : i32 {
      "tpu.region"() ({
        %run_scoped3A = tpu.sem_alloc : memref<!tpu.dma_semaphore, #tpu.memory_space<semaphore_mem>>
        %dma_start3A = arith.constant 0 : i32
        %dma_start3A_14 = tpu.memref_slice %arg6[%scan3A_13, %dma_start3A] : memref<79x128xi32, #tpu.memory_space<vmem>> -> memref<1x128xi32, #tpu.memory_space<vmem>>
        %dma_start3A_15 = tpu.memref_squeeze %dma_start3A_14 : memref<1x128xi32, #tpu.memory_space<vmem>> -> memref<128xi32, #tpu.memory_space<vmem>>
        %dma_start3A_16 = arith.constant 0 : i32
        %dma_start3A_17 = arith.constant 0 : i32
        %dma_start3A_18 = tpu.memref_slice %arg8[%dma_start3A_16, %dma_start3A_17] : memref<10112x8xf32, #tpu.memory_space<vmem_shared>> -> memref<10112x8xf32, #tpu.memory_space<vmem_shared>>
        tpu.enqueue_indirect_dma source(%arg7 : memref<128x8xf32, #tpu.memory_space<vmem>>) target(%dma_start3A_18 : memref<10112x8xf32, #tpu.memory_space<vmem_shared>>) offsets(%dma_start3A_15 : memref<128xi32, #tpu.memory_space<vmem>>) semaphore(%run_scoped3A : memref<!tpu.dma_semaphore, #tpu.memory_space<semaphore_mem>>) {add = true}
        %dma_wait3A = arith.constant 0 : i32
        %dma_wait3A_19 = tpu.memref_slice %arg6[%scan3A_13, %dma_wait3A] : memref<79x128xi32, #tpu.memory_space<vmem>> -> memref<1x128xi32, #tpu.memory_space<vmem>>
        %dma_wait3A_20 = tpu.memref_squeeze %dma_wait3A_19 : memref<1x128xi32, #tpu.memory_space<vmem>> -> memref<128xi32, #tpu.memory_space<vmem>>
        %dma_wait3A_21 = arith.constant 0 : i32
        %dma_wait3A_22 = arith.constant 0 : i32
        %dma_wait3A_23 = tpu.memref_slice %arg8[%dma_wait3A_21, %dma_wait3A_22] : memref<10112x8xf32, #tpu.memory_space<vmem_shared>> -> memref<10112x8xf32, #tpu.memory_space<vmem_shared>>
        tpu.wait_indirect_dma semaphore(%run_scoped3A : memref<!tpu.dma_semaphore, #tpu.memory_space<semaphore_mem>>) src(%arg7 : memref<128x8xf32, #tpu.memory_space<vmem>>) dst(%dma_wait3A_23 : memref<10112x8xf32, #tpu.memory_space<vmem_shared>>)
        tpu.yield
      }) : () -> ()
    }
    %scan3A_7 = arith.constant 79 : i32
    %barrier3A_8 = arith.constant 0 : index
    tpu.barrier barrier_id(%barrier3A_8)
    %mul3A_9 = arith.constant 632 : i32
    %mul3A_10 = arith.muli %arg1, %mul3A_9 : i32
    %mul3A_11 = arith.constant 632 : i32
    %mul3A_12 = arith.muli %arg1, %mul3A_11 : i32
    "tpu.region"() ({
      %run_scoped3A = tpu.sem_alloc : memref<!tpu.dma_semaphore, #tpu.memory_space<semaphore_mem>>
      %dma_start3A = arith.constant 0 : i32
      %dma_start3A_13 = arith.constant 0 : i32
      %dma_start3A_14 = tpu.memref_slice %arg5[%arg0, %dma_start3A, %dma_start3A_13] : memref<2x10112x8xf32, #tpu.memory_space<hbm>> -> memref<1x10112x8xf32, #tpu.memory_space<hbm>>
      %dma_start3A_15 = tpu.memref_squeeze %dma_start3A_14 : memref<1x10112x8xf32, #tpu.memory_space<hbm>> -> memref<10112x8xf32, #tpu.memory_space<hbm>>
      %dma_start3A_16 = arith.constant 0 : i32
      %dma_start3A_17 = tpu.memref_slice %dma_start3A_15[%mul3A_12, %dma_start3A_16] : memref<10112x8xf32, #tpu.memory_space<hbm>> -> memref<632x8xf32, #tpu.memory_space<hbm>>
      %dma_start3A_18 = arith.constant 0 : i32
      %dma_start3A_19 = tpu.memref_slice %arg8[%mul3A_10, %dma_start3A_18] : memref<10112x8xf32, #tpu.memory_space<vmem_shared>> -> memref<632x8xf32, #tpu.memory_space<vmem_shared>>
      tpu.enqueue_dma source(%dma_start3A_19 : memref<632x8xf32, #tpu.memory_space<vmem_shared>>) target(%dma_start3A_17 : memref<632x8xf32, #tpu.memory_space<hbm>>) target_semaphore(%run_scoped3A : memref<!tpu.dma_semaphore, #tpu.memory_space<semaphore_mem>>)
      %dma_wait3A = arith.constant 0 : i32
      %dma_wait3A_20 = arith.constant 0 : i32
      %dma_wait3A_21 = tpu.memref_slice %arg5[%arg0, %dma_wait3A, %dma_wait3A_20] : memref<2x10112x8xf32, #tpu.memory_space<hbm>> -> memref<1x10112x8xf32, #tpu.memory_space<hbm>>
      %dma_wait3A_22 = tpu.memref_squeeze %dma_wait3A_21 : memref<1x10112x8xf32, #tpu.memory_space<hbm>> -> memref<10112x8xf32, #tpu.memory_space<hbm>>
      %dma_wait3A_23 = arith.constant 0 : i32
      %dma_wait3A_24 = tpu.memref_slice %dma_wait3A_22[%mul3A_12, %dma_wait3A_23] : memref<10112x8xf32, #tpu.memory_space<hbm>> -> memref<632x8xf32, #tpu.memory_space<hbm>>
      %dma_wait3A_25 = arith.constant 0 : i32
      %dma_wait3A_26 = tpu.memref_slice %arg8[%mul3A_10, %dma_wait3A_25] : memref<10112x8xf32, #tpu.memory_space<vmem_shared>> -> memref<632x8xf32, #tpu.memory_space<vmem_shared>>
      tpu.wait_dma2 semaphore(%run_scoped3A : memref<!tpu.dma_semaphore, #tpu.memory_space<semaphore_mem>>) src(%dma_wait3A_26 : memref<632x8xf32, #tpu.memory_space<vmem_shared>>) dst(%dma_wait3A_24 : memref<632x8xf32, #tpu.memory_space<hbm>>)
      tpu.yield
    }) : () -> ()
    return
  }
}

#map = affine_map<(d0, d1) -> (0, 0)>
#map1 = affine_map<(d0, d1) -> (0, 0, 0)>
module attributes {stable_mosaic.version = 14 : i64} {
  func.func @_sc_prop_body(%arg0: i32, %arg1: i32, %arg2: memref<10000x32xf32, #tpu.memory_space<hbm>>, %arg3: memref<32x79x128xi32, #tpu.memory_space<hbm>>, %arg4: memref<32x79x128xi32, #tpu.memory_space<hbm>>, %arg5: memref<10112x32xf32, #tpu.memory_space<hbm>>, %arg6: memref<2x10112x32xf32, #tpu.memory_space<hbm>>, %arg7: memref<79x128xi32, #tpu.memory_space<vmem>>, %arg8: memref<79x128xi32, #tpu.memory_space<vmem>>, %arg9: memref<8x128x32xf32, #tpu.memory_space<vmem>>, %arg10: memref<10112x32xf32, #tpu.memory_space<vmem_shared>>, %arg11: memref<!tpu.dma_semaphore, #tpu.memory_space<semaphore_mem>>, %arg12: memref<!tpu.dma_semaphore, #tpu.memory_space<semaphore_mem>>) attributes {dimension_semantics = [#tpu.dimension_semantics<core_parallel>, #tpu.dimension_semantics<subcore_parallel>], iteration_bounds = array<i64: 2, 16>, scalar_prefetch = 0 : i64, scratch_operands = 6 : i64, tpu.core_type = #tpu.core_type<sc_vector_subcore>, window_params = [{transform_indices = #map}, {transform_indices = #map1}, {transform_indices = #map1}, {transform_indices = #map}, {transform_indices = #map1}]} {
    %mul3A = arith.constant 16 : i32
    %mul3A_0 = arith.muli %arg0, %mul3A : i32
    %add3A = arith.addi %mul3A_0, %arg1 : i32
    "tpu.region"() ({
      %run_scoped3A = tpu.sem_alloc : memref<!tpu.dma_semaphore, #tpu.memory_space<semaphore_mem>>
      %dma_start3A_191 = arith.constant 0 : i32
      %dma_start3A_192 = arith.constant 0 : i32
      %dma_start3A_193 = tpu.memref_slice %arg3[%add3A, %dma_start3A_191, %dma_start3A_192] : memref<32x79x128xi32, #tpu.memory_space<hbm>> -> memref<1x79x128xi32, #tpu.memory_space<hbm>>
      %dma_start3A_194 = tpu.memref_squeeze %dma_start3A_193 : memref<1x79x128xi32, #tpu.memory_space<hbm>> -> memref<79x128xi32, #tpu.memory_space<hbm>>
      %dma_start3A_195 = arith.constant 0 : i32
      %dma_start3A_196 = arith.constant 0 : i32
      %dma_start3A_197 = tpu.memref_slice %arg3[%add3A, %dma_start3A_195, %dma_start3A_196] : memref<32x79x128xi32, #tpu.memory_space<hbm>> -> memref<1x79x128xi32, #tpu.memory_space<hbm>>
      %dma_start3A_198 = tpu.memref_squeeze %dma_start3A_197 : memref<1x79x128xi32, #tpu.memory_space<hbm>> -> memref<79x128xi32, #tpu.memory_space<hbm>>
      tpu.enqueue_dma source(%dma_start3A_198 : memref<79x128xi32, #tpu.memory_space<hbm>>) target(%arg7 : memref<79x128xi32, #tpu.memory_space<vmem>>) target_semaphore(%run_scoped3A : memref<!tpu.dma_semaphore, #tpu.memory_space<semaphore_mem>>)
      %dma_wait3A_199 = arith.constant 0 : i32
      %dma_wait3A_200 = arith.constant 0 : i32
      %dma_wait3A_201 = tpu.memref_slice %arg3[%add3A, %dma_wait3A_199, %dma_wait3A_200] : memref<32x79x128xi32, #tpu.memory_space<hbm>> -> memref<1x79x128xi32, #tpu.memory_space<hbm>>
      %dma_wait3A_202 = tpu.memref_squeeze %dma_wait3A_201 : memref<1x79x128xi32, #tpu.memory_space<hbm>> -> memref<79x128xi32, #tpu.memory_space<hbm>>
      %dma_wait3A_203 = arith.constant 0 : i32
      %dma_wait3A_204 = arith.constant 0 : i32
      %dma_wait3A_205 = tpu.memref_slice %arg3[%add3A, %dma_wait3A_203, %dma_wait3A_204] : memref<32x79x128xi32, #tpu.memory_space<hbm>> -> memref<1x79x128xi32, #tpu.memory_space<hbm>>
      %dma_wait3A_206 = tpu.memref_squeeze %dma_wait3A_205 : memref<1x79x128xi32, #tpu.memory_space<hbm>> -> memref<79x128xi32, #tpu.memory_space<hbm>>
      tpu.wait_dma2 semaphore(%run_scoped3A : memref<!tpu.dma_semaphore, #tpu.memory_space<semaphore_mem>>) src(%dma_wait3A_206 : memref<79x128xi32, #tpu.memory_space<hbm>>) dst(%arg7 : memref<79x128xi32, #tpu.memory_space<vmem>>)
      tpu.yield
    }) : () -> ()
    "tpu.region"() ({
      %run_scoped3A = tpu.sem_alloc : memref<!tpu.dma_semaphore, #tpu.memory_space<semaphore_mem>>
      %dma_start3A_191 = arith.constant 0 : i32
      %dma_start3A_192 = arith.constant 0 : i32
      %dma_start3A_193 = tpu.memref_slice %arg4[%add3A, %dma_start3A_191, %dma_start3A_192] : memref<32x79x128xi32, #tpu.memory_space<hbm>> -> memref<1x79x128xi32, #tpu.memory_space<hbm>>
      %dma_start3A_194 = tpu.memref_squeeze %dma_start3A_193 : memref<1x79x128xi32, #tpu.memory_space<hbm>> -> memref<79x128xi32, #tpu.memory_space<hbm>>
      %dma_start3A_195 = arith.constant 0 : i32
      %dma_start3A_196 = arith.constant 0 : i32
      %dma_start3A_197 = tpu.memref_slice %arg4[%add3A, %dma_start3A_195, %dma_start3A_196] : memref<32x79x128xi32, #tpu.memory_space<hbm>> -> memref<1x79x128xi32, #tpu.memory_space<hbm>>
      %dma_start3A_198 = tpu.memref_squeeze %dma_start3A_197 : memref<1x79x128xi32, #tpu.memory_space<hbm>> -> memref<79x128xi32, #tpu.memory_space<hbm>>
      tpu.enqueue_dma source(%dma_start3A_198 : memref<79x128xi32, #tpu.memory_space<hbm>>) target(%arg8 : memref<79x128xi32, #tpu.memory_space<vmem>>) target_semaphore(%run_scoped3A : memref<!tpu.dma_semaphore, #tpu.memory_space<semaphore_mem>>)
      %dma_wait3A_199 = arith.constant 0 : i32
      %dma_wait3A_200 = arith.constant 0 : i32
      %dma_wait3A_201 = tpu.memref_slice %arg4[%add3A, %dma_wait3A_199, %dma_wait3A_200] : memref<32x79x128xi32, #tpu.memory_space<hbm>> -> memref<1x79x128xi32, #tpu.memory_space<hbm>>
      %dma_wait3A_202 = tpu.memref_squeeze %dma_wait3A_201 : memref<1x79x128xi32, #tpu.memory_space<hbm>> -> memref<79x128xi32, #tpu.memory_space<hbm>>
      %dma_wait3A_203 = arith.constant 0 : i32
      %dma_wait3A_204 = arith.constant 0 : i32
      %dma_wait3A_205 = tpu.memref_slice %arg4[%add3A, %dma_wait3A_203, %dma_wait3A_204] : memref<32x79x128xi32, #tpu.memory_space<hbm>> -> memref<1x79x128xi32, #tpu.memory_space<hbm>>
      %dma_wait3A_206 = tpu.memref_squeeze %dma_wait3A_205 : memref<1x79x128xi32, #tpu.memory_space<hbm>> -> memref<79x128xi32, #tpu.memory_space<hbm>>
      tpu.wait_dma2 semaphore(%run_scoped3A : memref<!tpu.dma_semaphore, #tpu.memory_space<semaphore_mem>>) src(%dma_wait3A_206 : memref<79x128xi32, #tpu.memory_space<hbm>>) dst(%arg8 : memref<79x128xi32, #tpu.memory_space<vmem>>)
      tpu.yield
    }) : () -> ()
    %eq3A = arith.constant 0 : i32
    %eq3A_1 = arith.cmpi eq, %arg1, %eq3A : i32
    %convert_element_type3A = arith.extui %eq3A_1 : i1 to i32
    %cond3A = arith.constant 0 : i32
    %cond3A_2 = arith.cmpi ne, %convert_element_type3A, %cond3A : i32
    scf.if %cond3A_2 {
      "tpu.region"() ({
        %run_scoped3A = tpu.sem_alloc : memref<!tpu.dma_semaphore, #tpu.memory_space<semaphore_mem>>
        tpu.enqueue_dma source(%arg5 : memref<10112x32xf32, #tpu.memory_space<hbm>>) target(%arg10 : memref<10112x32xf32, #tpu.memory_space<vmem_shared>>) target_semaphore(%run_scoped3A : memref<!tpu.dma_semaphore, #tpu.memory_space<semaphore_mem>>)
        tpu.wait_dma2 semaphore(%run_scoped3A : memref<!tpu.dma_semaphore, #tpu.memory_space<semaphore_mem>>) src(%arg5 : memref<10112x32xf32, #tpu.memory_space<hbm>>) dst(%arg10 : memref<10112x32xf32, #tpu.memory_space<vmem_shared>>)
        tpu.yield
      }) : () -> ()
    } else {
    }
    %barrier3A = arith.constant 0 : index
    tpu.barrier barrier_id(%barrier3A)
    %dma_start3A = arith.constant 0 : i32
    %dma_start3A_3 = arith.constant 0 : i32
    %dma_start3A_4 = arith.constant 0 : i32
    %dma_start3A_5 = arith.constant 0 : i32
    %dma_start3A_6 = tpu.memref_slice %arg9[%dma_start3A_3, %dma_start3A_4, %dma_start3A_5] : memref<8x128x32xf32, #tpu.memory_space<vmem>> -> memref<1x128x32xf32, #tpu.memory_space<vmem>>
    %dma_start3A_7 = tpu.memref_squeeze %dma_start3A_6 : memref<1x128x32xf32, #tpu.memory_space<vmem>> -> memref<128x32xf32, #tpu.memory_space<vmem>>
    %dma_start3A_8 = arith.constant 0 : i32
    %dma_start3A_9 = tpu.memref_slice %arg7[%dma_start3A, %dma_start3A_8] : memref<79x128xi32, #tpu.memory_space<vmem>> -> memref<1x128xi32, #tpu.memory_space<vmem>>
    %dma_start3A_10 = tpu.memref_squeeze %dma_start3A_9 : memref<1x128xi32, #tpu.memory_space<vmem>> -> memref<128xi32, #tpu.memory_space<vmem>>
    %dma_start3A_11 = arith.constant 0 : i32
    %dma_start3A_12 = arith.constant 0 : i32
    %dma_start3A_13 = tpu.memref_slice %arg2[%dma_start3A_11, %dma_start3A_12] : memref<10000x32xf32, #tpu.memory_space<hbm>> -> memref<10000x32xf32, #tpu.memory_space<hbm>>
    tpu.enqueue_indirect_dma source(%dma_start3A_13 : memref<10000x32xf32, #tpu.memory_space<hbm>>) target(%dma_start3A_7 : memref<128x32xf32, #tpu.memory_space<vmem>>) offsets(%dma_start3A_10 : memref<128xi32, #tpu.memory_space<vmem>>) semaphore(%arg11 : memref<!tpu.dma_semaphore, #tpu.memory_space<semaphore_mem>>)
    %dma_start3A_14 = arith.constant 1 : i32
    %dma_start3A_15 = arith.constant 1 : i32
    %dma_start3A_16 = arith.constant 0 : i32
    %dma_start3A_17 = arith.constant 0 : i32
    %dma_start3A_18 = tpu.memref_slice %arg9[%dma_start3A_15, %dma_start3A_16, %dma_start3A_17] : memref<8x128x32xf32, #tpu.memory_space<vmem>> -> memref<1x128x32xf32, #tpu.memory_space<vmem>>
    %dma_start3A_19 = tpu.memref_squeeze %dma_start3A_18 : memref<1x128x32xf32, #tpu.memory_space<vmem>> -> memref<128x32xf32, #tpu.memory_space<vmem>>
    %dma_start3A_20 = arith.constant 0 : i32
    %dma_start3A_21 = tpu.memref_slice %arg7[%dma_start3A_14, %dma_start3A_20] : memref<79x128xi32, #tpu.memory_space<vmem>> -> memref<1x128xi32, #tpu.memory_space<vmem>>
    %dma_start3A_22 = tpu.memref_squeeze %dma_start3A_21 : memref<1x128xi32, #tpu.memory_space<vmem>> -> memref<128xi32, #tpu.memory_space<vmem>>
    %dma_start3A_23 = arith.constant 0 : i32
    %dma_start3A_24 = arith.constant 0 : i32
    %dma_start3A_25 = tpu.memref_slice %arg2[%dma_start3A_23, %dma_start3A_24] : memref<10000x32xf32, #tpu.memory_space<hbm>> -> memref<10000x32xf32, #tpu.memory_space<hbm>>
    tpu.enqueue_indirect_dma source(%dma_start3A_25 : memref<10000x32xf32, #tpu.memory_space<hbm>>) target(%dma_start3A_19 : memref<128x32xf32, #tpu.memory_space<vmem>>) offsets(%dma_start3A_22 : memref<128xi32, #tpu.memory_space<vmem>>) semaphore(%arg11 : memref<!tpu.dma_semaphore, #tpu.memory_space<semaphore_mem>>)
    %dma_start3A_26 = arith.constant 2 : i32
    %dma_start3A_27 = arith.constant 2 : i32
    %dma_start3A_28 = arith.constant 0 : i32
    %dma_start3A_29 = arith.constant 0 : i32
    %dma_start3A_30 = tpu.memref_slice %arg9[%dma_start3A_27, %dma_start3A_28, %dma_start3A_29] : memref<8x128x32xf32, #tpu.memory_space<vmem>> -> memref<1x128x32xf32, #tpu.memory_space<vmem>>
    %dma_start3A_31 = tpu.memref_squeeze %dma_start3A_30 : memref<1x128x32xf32, #tpu.memory_space<vmem>> -> memref<128x32xf32, #tpu.memory_space<vmem>>
    %dma_start3A_32 = arith.constant 0 : i32
    %dma_start3A_33 = tpu.memref_slice %arg7[%dma_start3A_26, %dma_start3A_32] : memref<79x128xi32, #tpu.memory_space<vmem>> -> memref<1x128xi32, #tpu.memory_space<vmem>>
    %dma_start3A_34 = tpu.memref_squeeze %dma_start3A_33 : memref<1x128xi32, #tpu.memory_space<vmem>> -> memref<128xi32, #tpu.memory_space<vmem>>
    %dma_start3A_35 = arith.constant 0 : i32
    %dma_start3A_36 = arith.constant 0 : i32
    %dma_start3A_37 = tpu.memref_slice %arg2[%dma_start3A_35, %dma_start3A_36] : memref<10000x32xf32, #tpu.memory_space<hbm>> -> memref<10000x32xf32, #tpu.memory_space<hbm>>
    tpu.enqueue_indirect_dma source(%dma_start3A_37 : memref<10000x32xf32, #tpu.memory_space<hbm>>) target(%dma_start3A_31 : memref<128x32xf32, #tpu.memory_space<vmem>>) offsets(%dma_start3A_34 : memref<128xi32, #tpu.memory_space<vmem>>) semaphore(%arg11 : memref<!tpu.dma_semaphore, #tpu.memory_space<semaphore_mem>>)
    %dma_start3A_38 = arith.constant 3 : i32
    %dma_start3A_39 = arith.constant 3 : i32
    %dma_start3A_40 = arith.constant 0 : i32
    %dma_start3A_41 = arith.constant 0 : i32
    %dma_start3A_42 = tpu.memref_slice %arg9[%dma_start3A_39, %dma_start3A_40, %dma_start3A_41] : memref<8x128x32xf32, #tpu.memory_space<vmem>> -> memref<1x128x32xf32, #tpu.memory_space<vmem>>
    %dma_start3A_43 = tpu.memref_squeeze %dma_start3A_42 : memref<1x128x32xf32, #tpu.memory_space<vmem>> -> memref<128x32xf32, #tpu.memory_space<vmem>>
    %dma_start3A_44 = arith.constant 0 : i32
    %dma_start3A_45 = tpu.memref_slice %arg7[%dma_start3A_38, %dma_start3A_44] : memref<79x128xi32, #tpu.memory_space<vmem>> -> memref<1x128xi32, #tpu.memory_space<vmem>>
    %dma_start3A_46 = tpu.memref_squeeze %dma_start3A_45 : memref<1x128xi32, #tpu.memory_space<vmem>> -> memref<128xi32, #tpu.memory_space<vmem>>
    %dma_start3A_47 = arith.constant 0 : i32
    %dma_start3A_48 = arith.constant 0 : i32
    %dma_start3A_49 = tpu.memref_slice %arg2[%dma_start3A_47, %dma_start3A_48] : memref<10000x32xf32, #tpu.memory_space<hbm>> -> memref<10000x32xf32, #tpu.memory_space<hbm>>
    tpu.enqueue_indirect_dma source(%dma_start3A_49 : memref<10000x32xf32, #tpu.memory_space<hbm>>) target(%dma_start3A_43 : memref<128x32xf32, #tpu.memory_space<vmem>>) offsets(%dma_start3A_46 : memref<128xi32, #tpu.memory_space<vmem>>) semaphore(%arg11 : memref<!tpu.dma_semaphore, #tpu.memory_space<semaphore_mem>>)
    %dma_start3A_50 = arith.constant 4 : i32
    %dma_start3A_51 = arith.constant 4 : i32
    %dma_start3A_52 = arith.constant 0 : i32
    %dma_start3A_53 = arith.constant 0 : i32
    %dma_start3A_54 = tpu.memref_slice %arg9[%dma_start3A_51, %dma_start3A_52, %dma_start3A_53] : memref<8x128x32xf32, #tpu.memory_space<vmem>> -> memref<1x128x32xf32, #tpu.memory_space<vmem>>
    %dma_start3A_55 = tpu.memref_squeeze %dma_start3A_54 : memref<1x128x32xf32, #tpu.memory_space<vmem>> -> memref<128x32xf32, #tpu.memory_space<vmem>>
    %dma_start3A_56 = arith.constant 0 : i32
    %dma_start3A_57 = tpu.memref_slice %arg7[%dma_start3A_50, %dma_start3A_56] : memref<79x128xi32, #tpu.memory_space<vmem>> -> memref<1x128xi32, #tpu.memory_space<vmem>>
    %dma_start3A_58 = tpu.memref_squeeze %dma_start3A_57 : memref<1x128xi32, #tpu.memory_space<vmem>> -> memref<128xi32, #tpu.memory_space<vmem>>
    %dma_start3A_59 = arith.constant 0 : i32
    %dma_start3A_60 = arith.constant 0 : i32
    %dma_start3A_61 = tpu.memref_slice %arg2[%dma_start3A_59, %dma_start3A_60] : memref<10000x32xf32, #tpu.memory_space<hbm>> -> memref<10000x32xf32, #tpu.memory_space<hbm>>
    tpu.enqueue_indirect_dma source(%dma_start3A_61 : memref<10000x32xf32, #tpu.memory_space<hbm>>) target(%dma_start3A_55 : memref<128x32xf32, #tpu.memory_space<vmem>>) offsets(%dma_start3A_58 : memref<128xi32, #tpu.memory_space<vmem>>) semaphore(%arg11 : memref<!tpu.dma_semaphore, #tpu.memory_space<semaphore_mem>>)
    %dma_start3A_62 = arith.constant 5 : i32
    %dma_start3A_63 = arith.constant 5 : i32
    %dma_start3A_64 = arith.constant 0 : i32
    %dma_start3A_65 = arith.constant 0 : i32
    %dma_start3A_66 = tpu.memref_slice %arg9[%dma_start3A_63, %dma_start3A_64, %dma_start3A_65] : memref<8x128x32xf32, #tpu.memory_space<vmem>> -> memref<1x128x32xf32, #tpu.memory_space<vmem>>
    %dma_start3A_67 = tpu.memref_squeeze %dma_start3A_66 : memref<1x128x32xf32, #tpu.memory_space<vmem>> -> memref<128x32xf32, #tpu.memory_space<vmem>>
    %dma_start3A_68 = arith.constant 0 : i32
    %dma_start3A_69 = tpu.memref_slice %arg7[%dma_start3A_62, %dma_start3A_68] : memref<79x128xi32, #tpu.memory_space<vmem>> -> memref<1x128xi32, #tpu.memory_space<vmem>>
    %dma_start3A_70 = tpu.memref_squeeze %dma_start3A_69 : memref<1x128xi32, #tpu.memory_space<vmem>> -> memref<128xi32, #tpu.memory_space<vmem>>
    %dma_start3A_71 = arith.constant 0 : i32
    %dma_start3A_72 = arith.constant 0 : i32
    %dma_start3A_73 = tpu.memref_slice %arg2[%dma_start3A_71, %dma_start3A_72] : memref<10000x32xf32, #tpu.memory_space<hbm>> -> memref<10000x32xf32, #tpu.memory_space<hbm>>
    tpu.enqueue_indirect_dma source(%dma_start3A_73 : memref<10000x32xf32, #tpu.memory_space<hbm>>) target(%dma_start3A_67 : memref<128x32xf32, #tpu.memory_space<vmem>>) offsets(%dma_start3A_70 : memref<128xi32, #tpu.memory_space<vmem>>) semaphore(%arg11 : memref<!tpu.dma_semaphore, #tpu.memory_space<semaphore_mem>>)
    %dma_start3A_74 = arith.constant 6 : i32
    %dma_start3A_75 = arith.constant 6 : i32
    %dma_start3A_76 = arith.constant 0 : i32
    %dma_start3A_77 = arith.constant 0 : i32
    %dma_start3A_78 = tpu.memref_slice %arg9[%dma_start3A_75, %dma_start3A_76, %dma_start3A_77] : memref<8x128x32xf32, #tpu.memory_space<vmem>> -> memref<1x128x32xf32, #tpu.memory_space<vmem>>
    %dma_start3A_79 = tpu.memref_squeeze %dma_start3A_78 : memref<1x128x32xf32, #tpu.memory_space<vmem>> -> memref<128x32xf32, #tpu.memory_space<vmem>>
    %dma_start3A_80 = arith.constant 0 : i32
    %dma_start3A_81 = tpu.memref_slice %arg7[%dma_start3A_74, %dma_start3A_80] : memref<79x128xi32, #tpu.memory_space<vmem>> -> memref<1x128xi32, #tpu.memory_space<vmem>>
    %dma_start3A_82 = tpu.memref_squeeze %dma_start3A_81 : memref<1x128xi32, #tpu.memory_space<vmem>> -> memref<128xi32, #tpu.memory_space<vmem>>
    %dma_start3A_83 = arith.constant 0 : i32
    %dma_start3A_84 = arith.constant 0 : i32
    %dma_start3A_85 = tpu.memref_slice %arg2[%dma_start3A_83, %dma_start3A_84] : memref<10000x32xf32, #tpu.memory_space<hbm>> -> memref<10000x32xf32, #tpu.memory_space<hbm>>
    tpu.enqueue_indirect_dma source(%dma_start3A_85 : memref<10000x32xf32, #tpu.memory_space<hbm>>) target(%dma_start3A_79 : memref<128x32xf32, #tpu.memory_space<vmem>>) offsets(%dma_start3A_82 : memref<128xi32, #tpu.memory_space<vmem>>) semaphore(%arg11 : memref<!tpu.dma_semaphore, #tpu.memory_space<semaphore_mem>>)
    %scan3A = arith.constant 0 : i32
    %scan3A_86 = arith.constant 0 : i32
    %scan3A_87 = arith.constant 79 : i32
    %scan3A_88 = arith.addi %scan3A_86, %scan3A_87 : i32
    %scan3A_89 = arith.constant 1 : i32
    scf.for %scan3A_191 = %scan3A_86 to %scan3A_88 step %scan3A_89  : i32 {
      %jit3A = arith.constant 8 : i32
      %eq3A_192 = arith.constant 0 : i32
      %eq3A_193 = arith.cmpi eq, %jit3A, %eq3A_192 : i32
      %jit3A_194 = arith.constant 1 : i32
      %select_n3A = arith.select %eq3A_193, %jit3A_194, %jit3A : i32
      %rem3A = arith.remsi %scan3A_191, %select_n3A : i32
      %ne3A = arith.constant 0 : i32
      %ne3A_195 = arith.cmpi ne, %rem3A, %ne3A : i32
      %lt3A = arith.constant 0 : i32
      %lt3A_196 = arith.cmpi slt, %rem3A, %lt3A : i32
      %lt3A_197 = arith.constant 0 : i32
      %lt3A_198 = arith.cmpi slt, %select_n3A, %lt3A_197 : i32
      %ne3A_199 = arith.xori %lt3A_196, %lt3A_198 : i1
      %and3A = arith.andi %ne3A_199, %ne3A_195 : i1
      %add3A_200 = arith.addi %rem3A, %select_n3A : i32
      %select_n3A_201 = arith.select %and3A, %add3A_200, %rem3A : i32
      %dma_wait3A_202 = arith.constant 0 : i32
      %dma_wait3A_203 = arith.constant 0 : i32
      %dma_wait3A_204 = tpu.memref_slice %arg9[%select_n3A_201, %dma_wait3A_202, %dma_wait3A_203] : memref<8x128x32xf32, #tpu.memory_space<vmem>> -> memref<1x128x32xf32, #tpu.memory_space<vmem>>
      %dma_wait3A_205 = tpu.memref_squeeze %dma_wait3A_204 : memref<1x128x32xf32, #tpu.memory_space<vmem>> -> memref<128x32xf32, #tpu.memory_space<vmem>>
      %dma_wait3A_206 = arith.constant 0 : i32
      %dma_wait3A_207 = tpu.memref_slice %arg7[%scan3A_191, %dma_wait3A_206] : memref<79x128xi32, #tpu.memory_space<vmem>> -> memref<1x128xi32, #tpu.memory_space<vmem>>
      %dma_wait3A_208 = tpu.memref_squeeze %dma_wait3A_207 : memref<1x128xi32, #tpu.memory_space<vmem>> -> memref<128xi32, #tpu.memory_space<vmem>>
      %dma_wait3A_209 = arith.constant 0 : i32
      %dma_wait3A_210 = arith.constant 0 : i32
      %dma_wait3A_211 = tpu.memref_slice %arg2[%dma_wait3A_209, %dma_wait3A_210] : memref<10000x32xf32, #tpu.memory_space<hbm>> -> memref<10000x32xf32, #tpu.memory_space<hbm>>
      tpu.wait_indirect_dma semaphore(%arg11 : memref<!tpu.dma_semaphore, #tpu.memory_space<semaphore_mem>>) src(%dma_wait3A_211 : memref<10000x32xf32, #tpu.memory_space<hbm>>) dst(%dma_wait3A_205 : memref<128x32xf32, #tpu.memory_space<vmem>>)
      %jit3A_212 = arith.constant 8 : i32
      %eq3A_213 = arith.constant 0 : i32
      %eq3A_214 = arith.cmpi eq, %jit3A_212, %eq3A_213 : i32
      %jit3A_215 = arith.constant 1 : i32
      %select_n3A_216 = arith.select %eq3A_214, %jit3A_215, %jit3A_212 : i32
      %rem3A_217 = arith.remsi %scan3A_191, %select_n3A_216 : i32
      %ne3A_218 = arith.constant 0 : i32
      %ne3A_219 = arith.cmpi ne, %rem3A_217, %ne3A_218 : i32
      %lt3A_220 = arith.constant 0 : i32
      %lt3A_221 = arith.cmpi slt, %rem3A_217, %lt3A_220 : i32
      %lt3A_222 = arith.constant 0 : i32
      %lt3A_223 = arith.cmpi slt, %select_n3A_216, %lt3A_222 : i32
      %ne3A_224 = arith.xori %lt3A_221, %lt3A_223 : i1
      %and3A_225 = arith.andi %ne3A_224, %ne3A_219 : i1
      %add3A_226 = arith.addi %rem3A_217, %select_n3A_216 : i32
      %select_n3A_227 = arith.select %and3A_225, %add3A_226, %rem3A_217 : i32
      %dma_start3A_228 = arith.constant 0 : i32
      %dma_start3A_229 = arith.constant 0 : i32
      %dma_start3A_230 = tpu.memref_slice %arg9[%select_n3A_227, %dma_start3A_228, %dma_start3A_229] : memref<8x128x32xf32, #tpu.memory_space<vmem>> -> memref<1x128x32xf32, #tpu.memory_space<vmem>>
      %dma_start3A_231 = tpu.memref_squeeze %dma_start3A_230 : memref<1x128x32xf32, #tpu.memory_space<vmem>> -> memref<128x32xf32, #tpu.memory_space<vmem>>
      %dma_start3A_232 = arith.constant 0 : i32
      %dma_start3A_233 = tpu.memref_slice %arg8[%scan3A_191, %dma_start3A_232] : memref<79x128xi32, #tpu.memory_space<vmem>> -> memref<1x128xi32, #tpu.memory_space<vmem>>
      %dma_start3A_234 = tpu.memref_squeeze %dma_start3A_233 : memref<1x128xi32, #tpu.memory_space<vmem>> -> memref<128xi32, #tpu.memory_space<vmem>>
      %dma_start3A_235 = arith.constant 0 : i32
      %dma_start3A_236 = arith.constant 0 : i32
      %dma_start3A_237 = tpu.memref_slice %arg10[%dma_start3A_235, %dma_start3A_236] : memref<10112x32xf32, #tpu.memory_space<vmem_shared>> -> memref<10112x32xf32, #tpu.memory_space<vmem_shared>>
      tpu.enqueue_indirect_dma source(%dma_start3A_231 : memref<128x32xf32, #tpu.memory_space<vmem>>) target(%dma_start3A_237 : memref<10112x32xf32, #tpu.memory_space<vmem_shared>>) offsets(%dma_start3A_234 : memref<128xi32, #tpu.memory_space<vmem>>) semaphore(%arg12 : memref<!tpu.dma_semaphore, #tpu.memory_space<semaphore_mem>>) {add = true}
      %add3A_238 = arith.constant 8 : i32
      %add3A_239 = arith.addi %scan3A_191, %add3A_238 : i32
      %sub3A = arith.constant 1 : i32
      %sub3A_240 = arith.subi %add3A_239, %sub3A : i32
      %lt3A_241 = arith.constant 79 : i32
      %lt3A_242 = arith.cmpi slt, %sub3A_240, %lt3A_241 : i32
      %convert_element_type3A_243 = arith.extui %lt3A_242 : i1 to i32
      %cond3A_244 = arith.constant 0 : i32
      %cond3A_245 = arith.cmpi ne, %convert_element_type3A_243, %cond3A_244 : i32
      scf.if %cond3A_245 {
        %ge3A = arith.constant 1 : i32
        %ge3A_246 = arith.cmpi sge, %scan3A_191, %ge3A : i32
        %convert_element_type3A_247 = arith.extui %ge3A_246 : i1 to i32
        %cond3A_248 = arith.constant 0 : i32
        %cond3A_249 = arith.cmpi ne, %convert_element_type3A_247, %cond3A_248 : i32
        scf.if %cond3A_249 {
          %jit3A_284 = arith.constant 8 : i32
          %eq3A_285 = arith.constant 0 : i32
          %eq3A_286 = arith.cmpi eq, %jit3A_284, %eq3A_285 : i32
          %jit3A_287 = arith.constant 1 : i32
          %select_n3A_288 = arith.select %eq3A_286, %jit3A_287, %jit3A_284 : i32
          %rem3A_289 = arith.remsi %scan3A_191, %select_n3A_288 : i32
          %ne3A_290 = arith.constant 0 : i32
          %ne3A_291 = arith.cmpi ne, %rem3A_289, %ne3A_290 : i32
          %lt3A_292 = arith.constant 0 : i32
          %lt3A_293 = arith.cmpi slt, %rem3A_289, %lt3A_292 : i32
          %lt3A_294 = arith.constant 0 : i32
          %lt3A_295 = arith.cmpi slt, %select_n3A_288, %lt3A_294 : i32
          %ne3A_296 = arith.xori %lt3A_293, %lt3A_295 : i1
          %and3A_297 = arith.andi %ne3A_296, %ne3A_291 : i1
          %add3A_298 = arith.addi %rem3A_289, %select_n3A_288 : i32
          %select_n3A_299 = arith.select %and3A_297, %add3A_298, %rem3A_289 : i32
          %dma_wait3A_300 = arith.constant 0 : i32
          %dma_wait3A_301 = arith.constant 0 : i32
          %dma_wait3A_302 = tpu.memref_slice %arg9[%select_n3A_299, %dma_wait3A_300, %dma_wait3A_301] : memref<8x128x32xf32, #tpu.memory_space<vmem>> -> memref<1x128x32xf32, #tpu.memory_space<vmem>>
          %dma_wait3A_303 = tpu.memref_squeeze %dma_wait3A_302 : memref<1x128x32xf32, #tpu.memory_space<vmem>> -> memref<128x32xf32, #tpu.memory_space<vmem>>
          %dma_wait3A_304 = arith.constant 0 : i32
          %dma_wait3A_305 = tpu.memref_slice %arg8[%scan3A_191, %dma_wait3A_304] : memref<79x128xi32, #tpu.memory_space<vmem>> -> memref<1x128xi32, #tpu.memory_space<vmem>>
          %dma_wait3A_306 = tpu.memref_squeeze %dma_wait3A_305 : memref<1x128xi32, #tpu.memory_space<vmem>> -> memref<128xi32, #tpu.memory_space<vmem>>
          %dma_wait3A_307 = arith.constant 0 : i32
          %dma_wait3A_308 = arith.constant 0 : i32
          %dma_wait3A_309 = tpu.memref_slice %arg10[%dma_wait3A_307, %dma_wait3A_308] : memref<10112x32xf32, #tpu.memory_space<vmem_shared>> -> memref<10112x32xf32, #tpu.memory_space<vmem_shared>>
          tpu.wait_indirect_dma semaphore(%arg12 : memref<!tpu.dma_semaphore, #tpu.memory_space<semaphore_mem>>) src(%dma_wait3A_303 : memref<128x32xf32, #tpu.memory_space<vmem>>) dst(%dma_wait3A_309 : memref<10112x32xf32, #tpu.memory_space<vmem_shared>>)
        } else {
        }
        %add3A_250 = arith.constant 8 : i32
        %add3A_251 = arith.addi %scan3A_191, %add3A_250 : i32
        %sub3A_252 = arith.constant 1 : i32
        %sub3A_253 = arith.subi %add3A_251, %sub3A_252 : i32
        %add3A_254 = arith.constant 8 : i32
        %add3A_255 = arith.addi %scan3A_191, %add3A_254 : i32
        %sub3A_256 = arith.constant 1 : i32
        %sub3A_257 = arith.subi %add3A_255, %sub3A_256 : i32
        %jit3A_258 = arith.constant 8 : i32
        %eq3A_259 = arith.constant 0 : i32
        %eq3A_260 = arith.cmpi eq, %jit3A_258, %eq3A_259 : i32
        %jit3A_261 = arith.constant 1 : i32
        %select_n3A_262 = arith.select %eq3A_260, %jit3A_261, %jit3A_258 : i32
        %rem3A_263 = arith.remsi %sub3A_257, %select_n3A_262 : i32
        %ne3A_264 = arith.constant 0 : i32
        %ne3A_265 = arith.cmpi ne, %rem3A_263, %ne3A_264 : i32
        %lt3A_266 = arith.constant 0 : i32
        %lt3A_267 = arith.cmpi slt, %rem3A_263, %lt3A_266 : i32
        %lt3A_268 = arith.constant 0 : i32
        %lt3A_269 = arith.cmpi slt, %select_n3A_262, %lt3A_268 : i32
        %ne3A_270 = arith.xori %lt3A_267, %lt3A_269 : i1
        %and3A_271 = arith.andi %ne3A_270, %ne3A_265 : i1
        %add3A_272 = arith.addi %rem3A_263, %select_n3A_262 : i32
        %select_n3A_273 = arith.select %and3A_271, %add3A_272, %rem3A_263 : i32
        %dma_start3A_274 = arith.constant 0 : i32
        %dma_start3A_275 = arith.constant 0 : i32
        %dma_start3A_276 = tpu.memref_slice %arg9[%select_n3A_273, %dma_start3A_274, %dma_start3A_275] : memref<8x128x32xf32, #tpu.memory_space<vmem>> -> memref<1x128x32xf32, #tpu.memory_space<vmem>>
        %dma_start3A_277 = tpu.memref_squeeze %dma_start3A_276 : memref<1x128x32xf32, #tpu.memory_space<vmem>> -> memref<128x32xf32, #tpu.memory_space<vmem>>
        %dma_start3A_278 = arith.constant 0 : i32
        %dma_start3A_279 = tpu.memref_slice %arg7[%sub3A_253, %dma_start3A_278] : memref<79x128xi32, #tpu.memory_space<vmem>> -> memref<1x128xi32, #tpu.memory_space<vmem>>
        %dma_start3A_280 = tpu.memref_squeeze %dma_start3A_279 : memref<1x128xi32, #tpu.memory_space<vmem>> -> memref<128xi32, #tpu.memory_space<vmem>>
        %dma_start3A_281 = arith.constant 0 : i32
        %dma_start3A_282 = arith.constant 0 : i32
        %dma_start3A_283 = tpu.memref_slice %arg2[%dma_start3A_281, %dma_start3A_282] : memref<10000x32xf32, #tpu.memory_space<hbm>> -> memref<10000x32xf32, #tpu.memory_space<hbm>>
        tpu.enqueue_indirect_dma source(%dma_start3A_283 : memref<10000x32xf32, #tpu.memory_space<hbm>>) target(%dma_start3A_277 : memref<128x32xf32, #tpu.memory_space<vmem>>) offsets(%dma_start3A_280 : memref<128xi32, #tpu.memory_space<vmem>>) semaphore(%arg11 : memref<!tpu.dma_semaphore, #tpu.memory_space<semaphore_mem>>)
      } else {
      }
    }
    %scan3A_90 = arith.constant 79 : i32
    %dma_wait3A = arith.constant 0 : i32
    %dma_wait3A_91 = arith.constant 0 : i32
    %dma_wait3A_92 = arith.constant 0 : i32
    %dma_wait3A_93 = arith.constant 0 : i32
    %dma_wait3A_94 = tpu.memref_slice %arg9[%dma_wait3A, %dma_wait3A_92, %dma_wait3A_93] : memref<8x128x32xf32, #tpu.memory_space<vmem>> -> memref<1x128x32xf32, #tpu.memory_space<vmem>>
    %dma_wait3A_95 = tpu.memref_squeeze %dma_wait3A_94 : memref<1x128x32xf32, #tpu.memory_space<vmem>> -> memref<128x32xf32, #tpu.memory_space<vmem>>
    %dma_wait3A_96 = arith.constant 0 : i32
    %dma_wait3A_97 = tpu.memref_slice %arg8[%dma_wait3A_91, %dma_wait3A_96] : memref<79x128xi32, #tpu.memory_space<vmem>> -> memref<1x128xi32, #tpu.memory_space<vmem>>
    %dma_wait3A_98 = tpu.memref_squeeze %dma_wait3A_97 : memref<1x128xi32, #tpu.memory_space<vmem>> -> memref<128xi32, #tpu.memory_space<vmem>>
    %dma_wait3A_99 = arith.constant 0 : i32
    %dma_wait3A_100 = arith.constant 0 : i32
    %dma_wait3A_101 = tpu.memref_slice %arg10[%dma_wait3A_99, %dma_wait3A_100] : memref<10112x32xf32, #tpu.memory_space<vmem_shared>> -> memref<10112x32xf32, #tpu.memory_space<vmem_shared>>
    tpu.wait_indirect_dma semaphore(%arg12 : memref<!tpu.dma_semaphore, #tpu.memory_space<semaphore_mem>>) src(%dma_wait3A_95 : memref<128x32xf32, #tpu.memory_space<vmem>>) dst(%dma_wait3A_101 : memref<10112x32xf32, #tpu.memory_space<vmem_shared>>)
    %dma_wait3A_102 = arith.constant 1 : i32
    %dma_wait3A_103 = arith.constant 1 : i32
    %dma_wait3A_104 = arith.constant 0 : i32
    %dma_wait3A_105 = arith.constant 0 : i32
    %dma_wait3A_106 = tpu.memref_slice %arg9[%dma_wait3A_102, %dma_wait3A_104, %dma_wait3A_105] : memref<8x128x32xf32, #tpu.memory_space<vmem>> -> memref<1x128x32xf32, #tpu.memory_space<vmem>>
    %dma_wait3A_107 = tpu.memref_squeeze %dma_wait3A_106 : memref<1x128x32xf32, #tpu.memory_space<vmem>> -> memref<128x32xf32, #tpu.memory_space<vmem>>
    %dma_wait3A_108 = arith.constant 0 : i32
    %dma_wait3A_109 = tpu.memref_slice %arg8[%dma_wait3A_103, %dma_wait3A_108] : memref<79x128xi32, #tpu.memory_space<vmem>> -> memref<1x128xi32, #tpu.memory_space<vmem>>
    %dma_wait3A_110 = tpu.memref_squeeze %dma_wait3A_109 : memref<1x128xi32, #tpu.memory_space<vmem>> -> memref<128xi32, #tpu.memory_space<vmem>>
    %dma_wait3A_111 = arith.constant 0 : i32
    %dma_wait3A_112 = arith.constant 0 : i32
    %dma_wait3A_113 = tpu.memref_slice %arg10[%dma_wait3A_111, %dma_wait3A_112] : memref<10112x32xf32, #tpu.memory_space<vmem_shared>> -> memref<10112x32xf32, #tpu.memory_space<vmem_shared>>
    tpu.wait_indirect_dma semaphore(%arg12 : memref<!tpu.dma_semaphore, #tpu.memory_space<semaphore_mem>>) src(%dma_wait3A_107 : memref<128x32xf32, #tpu.memory_space<vmem>>) dst(%dma_wait3A_113 : memref<10112x32xf32, #tpu.memory_space<vmem_shared>>)
    %dma_wait3A_114 = arith.constant 2 : i32
    %dma_wait3A_115 = arith.constant 2 : i32
    %dma_wait3A_116 = arith.constant 0 : i32
    %dma_wait3A_117 = arith.constant 0 : i32
    %dma_wait3A_118 = tpu.memref_slice %arg9[%dma_wait3A_114, %dma_wait3A_116, %dma_wait3A_117] : memref<8x128x32xf32, #tpu.memory_space<vmem>> -> memref<1x128x32xf32, #tpu.memory_space<vmem>>
    %dma_wait3A_119 = tpu.memref_squeeze %dma_wait3A_118 : memref<1x128x32xf32, #tpu.memory_space<vmem>> -> memref<128x32xf32, #tpu.memory_space<vmem>>
    %dma_wait3A_120 = arith.constant 0 : i32
    %dma_wait3A_121 = tpu.memref_slice %arg8[%dma_wait3A_115, %dma_wait3A_120] : memref<79x128xi32, #tpu.memory_space<vmem>> -> memref<1x128xi32, #tpu.memory_space<vmem>>
    %dma_wait3A_122 = tpu.memref_squeeze %dma_wait3A_121 : memref<1x128xi32, #tpu.memory_space<vmem>> -> memref<128xi32, #tpu.memory_space<vmem>>
    %dma_wait3A_123 = arith.constant 0 : i32
    %dma_wait3A_124 = arith.constant 0 : i32
    %dma_wait3A_125 = tpu.memref_slice %arg10[%dma_wait3A_123, %dma_wait3A_124] : memref<10112x32xf32, #tpu.memory_space<vmem_shared>> -> memref<10112x32xf32, #tpu.memory_space<vmem_shared>>
    tpu.wait_indirect_dma semaphore(%arg12 : memref<!tpu.dma_semaphore, #tpu.memory_space<semaphore_mem>>) src(%dma_wait3A_119 : memref<128x32xf32, #tpu.memory_space<vmem>>) dst(%dma_wait3A_125 : memref<10112x32xf32, #tpu.memory_space<vmem_shared>>)
    %dma_wait3A_126 = arith.constant 3 : i32
    %dma_wait3A_127 = arith.constant 3 : i32
    %dma_wait3A_128 = arith.constant 0 : i32
    %dma_wait3A_129 = arith.constant 0 : i32
    %dma_wait3A_130 = tpu.memref_slice %arg9[%dma_wait3A_126, %dma_wait3A_128, %dma_wait3A_129] : memref<8x128x32xf32, #tpu.memory_space<vmem>> -> memref<1x128x32xf32, #tpu.memory_space<vmem>>
    %dma_wait3A_131 = tpu.memref_squeeze %dma_wait3A_130 : memref<1x128x32xf32, #tpu.memory_space<vmem>> -> memref<128x32xf32, #tpu.memory_space<vmem>>
    %dma_wait3A_132 = arith.constant 0 : i32
    %dma_wait3A_133 = tpu.memref_slice %arg8[%dma_wait3A_127, %dma_wait3A_132] : memref<79x128xi32, #tpu.memory_space<vmem>> -> memref<1x128xi32, #tpu.memory_space<vmem>>
    %dma_wait3A_134 = tpu.memref_squeeze %dma_wait3A_133 : memref<1x128xi32, #tpu.memory_space<vmem>> -> memref<128xi32, #tpu.memory_space<vmem>>
    %dma_wait3A_135 = arith.constant 0 : i32
    %dma_wait3A_136 = arith.constant 0 : i32
    %dma_wait3A_137 = tpu.memref_slice %arg10[%dma_wait3A_135, %dma_wait3A_136] : memref<10112x32xf32, #tpu.memory_space<vmem_shared>> -> memref<10112x32xf32, #tpu.memory_space<vmem_shared>>
    tpu.wait_indirect_dma semaphore(%arg12 : memref<!tpu.dma_semaphore, #tpu.memory_space<semaphore_mem>>) src(%dma_wait3A_131 : memref<128x32xf32, #tpu.memory_space<vmem>>) dst(%dma_wait3A_137 : memref<10112x32xf32, #tpu.memory_space<vmem_shared>>)
    %dma_wait3A_138 = arith.constant 4 : i32
    %dma_wait3A_139 = arith.constant 4 : i32
    %dma_wait3A_140 = arith.constant 0 : i32
    %dma_wait3A_141 = arith.constant 0 : i32
    %dma_wait3A_142 = tpu.memref_slice %arg9[%dma_wait3A_138, %dma_wait3A_140, %dma_wait3A_141] : memref<8x128x32xf32, #tpu.memory_space<vmem>> -> memref<1x128x32xf32, #tpu.memory_space<vmem>>
    %dma_wait3A_143 = tpu.memref_squeeze %dma_wait3A_142 : memref<1x128x32xf32, #tpu.memory_space<vmem>> -> memref<128x32xf32, #tpu.memory_space<vmem>>
    %dma_wait3A_144 = arith.constant 0 : i32
    %dma_wait3A_145 = tpu.memref_slice %arg8[%dma_wait3A_139, %dma_wait3A_144] : memref<79x128xi32, #tpu.memory_space<vmem>> -> memref<1x128xi32, #tpu.memory_space<vmem>>
    %dma_wait3A_146 = tpu.memref_squeeze %dma_wait3A_145 : memref<1x128xi32, #tpu.memory_space<vmem>> -> memref<128xi32, #tpu.memory_space<vmem>>
    %dma_wait3A_147 = arith.constant 0 : i32
    %dma_wait3A_148 = arith.constant 0 : i32
    %dma_wait3A_149 = tpu.memref_slice %arg10[%dma_wait3A_147, %dma_wait3A_148] : memref<10112x32xf32, #tpu.memory_space<vmem_shared>> -> memref<10112x32xf32, #tpu.memory_space<vmem_shared>>
    tpu.wait_indirect_dma semaphore(%arg12 : memref<!tpu.dma_semaphore, #tpu.memory_space<semaphore_mem>>) src(%dma_wait3A_143 : memref<128x32xf32, #tpu.memory_space<vmem>>) dst(%dma_wait3A_149 : memref<10112x32xf32, #tpu.memory_space<vmem_shared>>)
    %dma_wait3A_150 = arith.constant 5 : i32
    %dma_wait3A_151 = arith.constant 5 : i32
    %dma_wait3A_152 = arith.constant 0 : i32
    %dma_wait3A_153 = arith.constant 0 : i32
    %dma_wait3A_154 = tpu.memref_slice %arg9[%dma_wait3A_150, %dma_wait3A_152, %dma_wait3A_153] : memref<8x128x32xf32, #tpu.memory_space<vmem>> -> memref<1x128x32xf32, #tpu.memory_space<vmem>>
    %dma_wait3A_155 = tpu.memref_squeeze %dma_wait3A_154 : memref<1x128x32xf32, #tpu.memory_space<vmem>> -> memref<128x32xf32, #tpu.memory_space<vmem>>
    %dma_wait3A_156 = arith.constant 0 : i32
    %dma_wait3A_157 = tpu.memref_slice %arg8[%dma_wait3A_151, %dma_wait3A_156] : memref<79x128xi32, #tpu.memory_space<vmem>> -> memref<1x128xi32, #tpu.memory_space<vmem>>
    %dma_wait3A_158 = tpu.memref_squeeze %dma_wait3A_157 : memref<1x128xi32, #tpu.memory_space<vmem>> -> memref<128xi32, #tpu.memory_space<vmem>>
    %dma_wait3A_159 = arith.constant 0 : i32
    %dma_wait3A_160 = arith.constant 0 : i32
    %dma_wait3A_161 = tpu.memref_slice %arg10[%dma_wait3A_159, %dma_wait3A_160] : memref<10112x32xf32, #tpu.memory_space<vmem_shared>> -> memref<10112x32xf32, #tpu.memory_space<vmem_shared>>
    tpu.wait_indirect_dma semaphore(%arg12 : memref<!tpu.dma_semaphore, #tpu.memory_space<semaphore_mem>>) src(%dma_wait3A_155 : memref<128x32xf32, #tpu.memory_space<vmem>>) dst(%dma_wait3A_161 : memref<10112x32xf32, #tpu.memory_space<vmem_shared>>)
    %dma_wait3A_162 = arith.constant 6 : i32
    %dma_wait3A_163 = arith.constant 6 : i32
    %dma_wait3A_164 = arith.constant 0 : i32
    %dma_wait3A_165 = arith.constant 0 : i32
    %dma_wait3A_166 = tpu.memref_slice %arg9[%dma_wait3A_162, %dma_wait3A_164, %dma_wait3A_165] : memref<8x128x32xf32, #tpu.memory_space<vmem>> -> memref<1x128x32xf32, #tpu.memory_space<vmem>>
    %dma_wait3A_167 = tpu.memref_squeeze %dma_wait3A_166 : memref<1x128x32xf32, #tpu.memory_space<vmem>> -> memref<128x32xf32, #tpu.memory_space<vmem>>
    %dma_wait3A_168 = arith.constant 0 : i32
    %dma_wait3A_169 = tpu.memref_slice %arg8[%dma_wait3A_163, %dma_wait3A_168] : memref<79x128xi32, #tpu.memory_space<vmem>> -> memref<1x128xi32, #tpu.memory_space<vmem>>
    %dma_wait3A_170 = tpu.memref_squeeze %dma_wait3A_169 : memref<1x128xi32, #tpu.memory_space<vmem>> -> memref<128xi32, #tpu.memory_space<vmem>>
    %dma_wait3A_171 = arith.constant 0 : i32
    %dma_wait3A_172 = arith.constant 0 : i32
    %dma_wait3A_173 = tpu.memref_slice %arg10[%dma_wait3A_171, %dma_wait3A_172] : memref<10112x32xf32, #tpu.memory_space<vmem_shared>> -> memref<10112x32xf32, #tpu.memory_space<vmem_shared>>
    tpu.wait_indirect_dma semaphore(%arg12 : memref<!tpu.dma_semaphore, #tpu.memory_space<semaphore_mem>>) src(%dma_wait3A_167 : memref<128x32xf32, #tpu.memory_space<vmem>>) dst(%dma_wait3A_173 : memref<10112x32xf32, #tpu.memory_space<vmem_shared>>)
    %dma_wait3A_174 = arith.constant 7 : i32
    %dma_wait3A_175 = arith.constant 7 : i32
    %dma_wait3A_176 = arith.constant 0 : i32
    %dma_wait3A_177 = arith.constant 0 : i32
    %dma_wait3A_178 = tpu.memref_slice %arg9[%dma_wait3A_174, %dma_wait3A_176, %dma_wait3A_177] : memref<8x128x32xf32, #tpu.memory_space<vmem>> -> memref<1x128x32xf32, #tpu.memory_space<vmem>>
    %dma_wait3A_179 = tpu.memref_squeeze %dma_wait3A_178 : memref<1x128x32xf32, #tpu.memory_space<vmem>> -> memref<128x32xf32, #tpu.memory_space<vmem>>
    %dma_wait3A_180 = arith.constant 0 : i32
    %dma_wait3A_181 = tpu.memref_slice %arg8[%dma_wait3A_175, %dma_wait3A_180] : memref<79x128xi32, #tpu.memory_space<vmem>> -> memref<1x128xi32, #tpu.memory_space<vmem>>
    %dma_wait3A_182 = tpu.memref_squeeze %dma_wait3A_181 : memref<1x128xi32, #tpu.memory_space<vmem>> -> memref<128xi32, #tpu.memory_space<vmem>>
    %dma_wait3A_183 = arith.constant 0 : i32
    %dma_wait3A_184 = arith.constant 0 : i32
    %dma_wait3A_185 = tpu.memref_slice %arg10[%dma_wait3A_183, %dma_wait3A_184] : memref<10112x32xf32, #tpu.memory_space<vmem_shared>> -> memref<10112x32xf32, #tpu.memory_space<vmem_shared>>
    tpu.wait_indirect_dma semaphore(%arg12 : memref<!tpu.dma_semaphore, #tpu.memory_space<semaphore_mem>>) src(%dma_wait3A_179 : memref<128x32xf32, #tpu.memory_space<vmem>>) dst(%dma_wait3A_185 : memref<10112x32xf32, #tpu.memory_space<vmem_shared>>)
    %barrier3A_186 = arith.constant 0 : index
    tpu.barrier barrier_id(%barrier3A_186)
    %mul3A_187 = arith.constant 632 : i32
    %mul3A_188 = arith.muli %arg1, %mul3A_187 : i32
    %mul3A_189 = arith.constant 632 : i32
    %mul3A_190 = arith.muli %arg1, %mul3A_189 : i32
    "tpu.region"() ({
      %run_scoped3A = tpu.sem_alloc : memref<!tpu.dma_semaphore, #tpu.memory_space<semaphore_mem>>
      %dma_start3A_191 = arith.constant 0 : i32
      %dma_start3A_192 = arith.constant 0 : i32
      %dma_start3A_193 = tpu.memref_slice %arg6[%arg0, %dma_start3A_191, %dma_start3A_192] : memref<2x10112x32xf32, #tpu.memory_space<hbm>> -> memref<1x10112x32xf32, #tpu.memory_space<hbm>>
      %dma_start3A_194 = tpu.memref_squeeze %dma_start3A_193 : memref<1x10112x32xf32, #tpu.memory_space<hbm>> -> memref<10112x32xf32, #tpu.memory_space<hbm>>
      %dma_start3A_195 = arith.constant 0 : i32
      %dma_start3A_196 = tpu.memref_slice %dma_start3A_194[%mul3A_190, %dma_start3A_195] : memref<10112x32xf32, #tpu.memory_space<hbm>> -> memref<632x32xf32, #tpu.memory_space<hbm>>
      %dma_start3A_197 = arith.constant 0 : i32
      %dma_start3A_198 = tpu.memref_slice %arg10[%mul3A_188, %dma_start3A_197] : memref<10112x32xf32, #tpu.memory_space<vmem_shared>> -> memref<632x32xf32, #tpu.memory_space<vmem_shared>>
      tpu.enqueue_dma source(%dma_start3A_198 : memref<632x32xf32, #tpu.memory_space<vmem_shared>>) target(%dma_start3A_196 : memref<632x32xf32, #tpu.memory_space<hbm>>) target_semaphore(%run_scoped3A : memref<!tpu.dma_semaphore, #tpu.memory_space<semaphore_mem>>)
      %dma_wait3A_199 = arith.constant 0 : i32
      %dma_wait3A_200 = arith.constant 0 : i32
      %dma_wait3A_201 = tpu.memref_slice %arg6[%arg0, %dma_wait3A_199, %dma_wait3A_200] : memref<2x10112x32xf32, #tpu.memory_space<hbm>> -> memref<1x10112x32xf32, #tpu.memory_space<hbm>>
      %dma_wait3A_202 = tpu.memref_squeeze %dma_wait3A_201 : memref<1x10112x32xf32, #tpu.memory_space<hbm>> -> memref<10112x32xf32, #tpu.memory_space<hbm>>
      %dma_wait3A_203 = arith.constant 0 : i32
      %dma_wait3A_204 = tpu.memref_slice %dma_wait3A_202[%mul3A_190, %dma_wait3A_203] : memref<10112x32xf32, #tpu.memory_space<hbm>> -> memref<632x32xf32, #tpu.memory_space<hbm>>
      %dma_wait3A_205 = arith.constant 0 : i32
      %dma_wait3A_206 = tpu.memref_slice %arg10[%mul3A_188, %dma_wait3A_205] : memref<10112x32xf32, #tpu.memory_space<vmem_shared>> -> memref<632x32xf32, #tpu.memory_space<vmem_shared>>
      tpu.wait_dma2 semaphore(%run_scoped3A : memref<!tpu.dma_semaphore, #tpu.memory_space<semaphore_mem>>) src(%dma_wait3A_206 : memref<632x32xf32, #tpu.memory_space<vmem_shared>>) dst(%dma_wait3A_204 : memref<632x32xf32, #tpu.memory_space<hbm>>)
      tpu.yield
    }) : () -> ()
    return
  }
}

module attributes {stable_mosaic.version = 14 : i64} {
  func.func @_tc1_body(%arg0: memref<10000x128xf32, #tpu.memory_space<vmem>>, %arg1: memref<128x32xf32, #tpu.memory_space<vmem>>, %arg2: memref<2x10112x8xf32, #tpu.memory_space<vmem>>, %arg3: memref<10000x32xf32, #tpu.memory_space<vmem>>, %arg4: memref<10000x1xf32, #tpu.memory_space<vmem>>) attributes {dimension_semantics = [], scalar_prefetch = 0 : i64, scratch_operands = 0 : i64, tpu.core_type = #tpu.core_type<tc>} {
    %get3A = arith.constant 0 : index
    %get3A_0 = arith.constant 0 : index
    %get3A_1 = vector.load %arg0[%get3A, %get3A_0] : memref<10000x128xf32, #tpu.memory_space<vmem>>, vector<10000x128xf32>
    %get3A_2 = arith.constant 0 : index
    %get3A_3 = arith.constant 0 : index
    %get3A_4 = vector.load %arg1[%get3A_2, %get3A_3] : memref<128x32xf32, #tpu.memory_space<vmem>>, vector<128x32xf32>
    %dot_general3A = arith.constant dense<0.000000e+00> : vector<10000x32xf32>
    %dot_general3A_5 = tpu.matmul %get3A_1, %get3A_4, %dot_general3A {dimension_numbers = #tpu.dot_dimension_numbers<[1], [0], [0], [1], [0, 0, 1, 1], [], []>, transpose_lhs_hint = false} : vector<10000x128xf32>, vector<128x32xf32>, vector<10000x32xf32> -> vector<10000x32xf32>
    %get3A_6 = arith.constant 0 : index
    %get3A_7 = arith.constant 0 : index
    %get3A_8 = arith.constant 0 : index
    %get3A_9 = vector.load %arg2[%get3A_6, %get3A_7, %get3A_8] : memref<2x10112x8xf32, #tpu.memory_space<vmem>>, vector<1x10000x1xf32>
    %get3A_10 = vector.shape_cast %get3A_9 : vector<1x10000x1xf32> to vector<10000x1xf32>
    %get3A_11 = arith.constant 1 : index
    %get3A_12 = arith.constant 0 : index
    %get3A_13 = arith.constant 0 : index
    %get3A_14 = vector.load %arg2[%get3A_11, %get3A_12, %get3A_13] : memref<2x10112x8xf32, #tpu.memory_space<vmem>>, vector<1x10000x1xf32>
    %get3A_15 = vector.shape_cast %get3A_14 : vector<1x10000x1xf32> to vector<10000x1xf32>
    %add3A = arith.addf %get3A_10, %get3A_15 : vector<10000x1xf32>
    %add3A_16 = arith.constant 1.000000e+00 : f32
    %add3A_17 = vector.broadcast %add3A_16 : f32 to vector<10000x1xf32>
    %add3A_18 = arith.addf %add3A, %add3A_17 : vector<10000x1xf32>
    %rsqrt3A = math.rsqrt %add3A_18 : vector<10000x1xf32>
    %mul3A = vector.broadcast %rsqrt3A : vector<10000x1xf32> to vector<10000x32xf32>
    %mul3A_19 = arith.mulf %dot_general3A_5, %mul3A : vector<10000x32xf32>
    %swap3A = arith.constant 0 : index
    %swap3A_20 = arith.constant 0 : index
    %swap3A_21 = vector.load %arg3[%swap3A, %swap3A_20] : memref<10000x32xf32, #tpu.memory_space<vmem>>, vector<10000x32xf32>
    tpu.vector_store %arg3[%swap3A, %swap3A_20], %mul3A_19 {strides = array<i32>} : memref<10000x32xf32, #tpu.memory_space<vmem>>, vector<10000x32xf32>,
    %swap3A_22 = arith.constant 0 : index
    %swap3A_23 = arith.constant 0 : index
    %swap3A_24 = vector.load %arg4[%swap3A_22, %swap3A_23] : memref<10000x1xf32, #tpu.memory_space<vmem>>, vector<10000x1xf32>
    tpu.vector_store %arg4[%swap3A_22, %swap3A_23], %rsqrt3A {strides = array<i32>} : memref<10000x1xf32, #tpu.memory_space<vmem>>, vector<10000x1xf32>,
    return
  }
}

module attributes {stable_mosaic.version = 14 : i64} {
  func.func @_tc2_body(%arg0: memref<2x10112x32xf32, #tpu.memory_space<vmem>>, %arg1: memref<10000x32xf32, #tpu.memory_space<vmem>>, %arg2: memref<10000x1xf32, #tpu.memory_space<vmem>>, %arg3: memref<1x32xf32, #tpu.memory_space<vmem>>, %arg4: memref<32x32xf32, #tpu.memory_space<vmem>>, %arg5: memref<10000x32xf32, #tpu.memory_space<vmem>>) attributes {dimension_semantics = [], scalar_prefetch = 0 : i64, scratch_operands = 0 : i64, tpu.core_type = #tpu.core_type<tc>} {
    %get3A = arith.constant 0 : index
    %get3A_0 = arith.constant 0 : index
    %get3A_1 = arith.constant 0 : index
    %get3A_2 = vector.load %arg0[%get3A, %get3A_0, %get3A_1] : memref<2x10112x32xf32, #tpu.memory_space<vmem>>, vector<1x10000x32xf32>
    %get3A_3 = vector.shape_cast %get3A_2 : vector<1x10000x32xf32> to vector<10000x32xf32>
    %get3A_4 = arith.constant 1 : index
    %get3A_5 = arith.constant 0 : index
    %get3A_6 = arith.constant 0 : index
    %get3A_7 = vector.load %arg0[%get3A_4, %get3A_5, %get3A_6] : memref<2x10112x32xf32, #tpu.memory_space<vmem>>, vector<1x10000x32xf32>
    %get3A_8 = vector.shape_cast %get3A_7 : vector<1x10000x32xf32> to vector<10000x32xf32>
    %add3A = arith.addf %get3A_3, %get3A_8 : vector<10000x32xf32>
    %get3A_9 = arith.constant 0 : index
    %get3A_10 = arith.constant 0 : index
    %get3A_11 = vector.load %arg1[%get3A_9, %get3A_10] : memref<10000x32xf32, #tpu.memory_space<vmem>>, vector<10000x32xf32>
    %add3A_12 = arith.addf %add3A, %get3A_11 : vector<10000x32xf32>
    %get3A_13 = arith.constant 0 : index
    %get3A_14 = arith.constant 0 : index
    %get3A_15 = vector.load %arg2[%get3A_13, %get3A_14] : memref<10000x1xf32, #tpu.memory_space<vmem>>, vector<10000x1xf32>
    %mul3A = vector.broadcast %get3A_15 : vector<10000x1xf32> to vector<10000x32xf32>
    %mul3A_16 = arith.mulf %mul3A, %add3A_12 : vector<10000x32xf32>
    %get3A_17 = arith.constant 0 : index
    %get3A_18 = arith.constant 0 : index
    %get3A_19 = vector.load %arg3[%get3A_17, %get3A_18] : memref<1x32xf32, #tpu.memory_space<vmem>>, vector<1x32xf32>
    %add3A_20 = vector.broadcast %get3A_19 : vector<1x32xf32> to vector<10000x32xf32>
    %add3A_21 = arith.addf %mul3A_16, %add3A_20 : vector<10000x32xf32>
    %max3A = arith.constant 0.000000e+00 : f32
    %max3A_22 = vector.broadcast %max3A : f32 to vector<10000x32xf32>
    %max3A_23 = arith.maximumf %add3A_21, %max3A_22 : vector<10000x32xf32>
    %get3A_24 = arith.constant 0 : index
    %get3A_25 = arith.constant 0 : index
    %get3A_26 = vector.load %arg4[%get3A_24, %get3A_25] : memref<32x32xf32, #tpu.memory_space<vmem>>, vector<32x32xf32>
    %dot_general3A = arith.constant dense<0.000000e+00> : vector<10000x32xf32>
    %dot_general3A_27 = tpu.matmul %max3A_23, %get3A_26, %dot_general3A {dimension_numbers = #tpu.dot_dimension_numbers<[1], [0], [0], [1], [0, 0, 1, 1], [], []>, transpose_lhs_hint = false} : vector<10000x32xf32>, vector<32x32xf32>, vector<10000x32xf32> -> vector<10000x32xf32>
    %get3A_28 = arith.constant 0 : index
    %get3A_29 = arith.constant 0 : index
    %get3A_30 = vector.load %arg2[%get3A_28, %get3A_29] : memref<10000x1xf32, #tpu.memory_space<vmem>>, vector<10000x1xf32>
    %mul3A_31 = vector.broadcast %get3A_30 : vector<10000x1xf32> to vector<10000x32xf32>
    %mul3A_32 = arith.mulf %dot_general3A_27, %mul3A_31 : vector<10000x32xf32>
    %swap3A = arith.constant 0 : index
    %swap3A_33 = arith.constant 0 : index
    %swap3A_34 = vector.load %arg5[%swap3A, %swap3A_33] : memref<10000x32xf32, #tpu.memory_space<vmem>>, vector<10000x32xf32>
    tpu.vector_store %arg5[%swap3A, %swap3A_33], %mul3A_32 {strides = array<i32>} : memref<10000x32xf32, #tpu.memory_space<vmem>>, vector<10000x32xf32>,
    return
  }
}

module attributes {stable_mosaic.version = 14 : i64} {
  func.func @_tc3_body(%arg0: memref<2x10112x32xf32, #tpu.memory_space<vmem>>, %arg1: memref<10000x32xf32, #tpu.memory_space<vmem>>, %arg2: memref<10000x1xf32, #tpu.memory_space<vmem>>, %arg3: memref<1x32xf32, #tpu.memory_space<vmem>>, %arg4: memref<32x1xf32, #tpu.memory_space<vmem>>, %arg5: memref<1x1xf32, #tpu.memory_space<vmem>>, %arg6: memref<10000xf32, #tpu.memory_space<vmem>>) attributes {dimension_semantics = [], scalar_prefetch = 0 : i64, scratch_operands = 0 : i64, tpu.core_type = #tpu.core_type<tc>} {
    %get3A = arith.constant 0 : index
    %get3A_0 = arith.constant 0 : index
    %get3A_1 = arith.constant 0 : index
    %get3A_2 = vector.load %arg0[%get3A, %get3A_0, %get3A_1] : memref<2x10112x32xf32, #tpu.memory_space<vmem>>, vector<1x10000x32xf32>
    %get3A_3 = vector.shape_cast %get3A_2 : vector<1x10000x32xf32> to vector<10000x32xf32>
    %get3A_4 = arith.constant 1 : index
    %get3A_5 = arith.constant 0 : index
    %get3A_6 = arith.constant 0 : index
    %get3A_7 = vector.load %arg0[%get3A_4, %get3A_5, %get3A_6] : memref<2x10112x32xf32, #tpu.memory_space<vmem>>, vector<1x10000x32xf32>
    %get3A_8 = vector.shape_cast %get3A_7 : vector<1x10000x32xf32> to vector<10000x32xf32>
    %add3A = arith.addf %get3A_3, %get3A_8 : vector<10000x32xf32>
    %get3A_9 = arith.constant 0 : index
    %get3A_10 = arith.constant 0 : index
    %get3A_11 = vector.load %arg1[%get3A_9, %get3A_10] : memref<10000x32xf32, #tpu.memory_space<vmem>>, vector<10000x32xf32>
    %add3A_12 = arith.addf %add3A, %get3A_11 : vector<10000x32xf32>
    %get3A_13 = arith.constant 0 : index
    %get3A_14 = arith.constant 0 : index
    %get3A_15 = vector.load %arg2[%get3A_13, %get3A_14] : memref<10000x1xf32, #tpu.memory_space<vmem>>, vector<10000x1xf32>
    %mul3A = vector.broadcast %get3A_15 : vector<10000x1xf32> to vector<10000x32xf32>
    %mul3A_16 = arith.mulf %mul3A, %add3A_12 : vector<10000x32xf32>
    %get3A_17 = arith.constant 0 : index
    %get3A_18 = arith.constant 0 : index
    %get3A_19 = vector.load %arg3[%get3A_17, %get3A_18] : memref<1x32xf32, #tpu.memory_space<vmem>>, vector<1x32xf32>
    %add3A_20 = vector.broadcast %get3A_19 : vector<1x32xf32> to vector<10000x32xf32>
    %add3A_21 = arith.addf %mul3A_16, %add3A_20 : vector<10000x32xf32>
    %max3A = arith.constant 0.000000e+00 : f32
    %max3A_22 = vector.broadcast %max3A : f32 to vector<10000x32xf32>
    %max3A_23 = arith.maximumf %add3A_21, %max3A_22 : vector<10000x32xf32>
    %get3A_24 = arith.constant 0 : index
    %get3A_25 = arith.constant 0 : index
    %get3A_26 = vector.load %arg4[%get3A_24, %get3A_25] : memref<32x1xf32, #tpu.memory_space<vmem>>, vector<32x1xf32>
    %dot_general3A = arith.constant dense<0.000000e+00> : vector<10000x1xf32>
    %dot_general3A_27 = tpu.matmul %max3A_23, %get3A_26, %dot_general3A {dimension_numbers = #tpu.dot_dimension_numbers<[1], [0], [0], [1], [0, 0, 1, 1], [], []>, transpose_lhs_hint = false} : vector<10000x32xf32>, vector<32x1xf32>, vector<10000x1xf32> -> vector<10000x1xf32>
    %get3A_28 = arith.constant 0 : index
    %get3A_29 = arith.constant 0 : index
    %get3A_30 = vector.load %arg5[%get3A_28, %get3A_29] : memref<1x1xf32, #tpu.memory_space<vmem>>, vector<1x1xf32>
    %add3A_31 = vector.broadcast %get3A_30 : vector<1x1xf32> to vector<10000x1xf32>
    %add3A_32 = arith.addf %dot_general3A_27, %add3A_31 : vector<10000x1xf32>
    %squeeze3A = vector.shape_cast %add3A_32 : vector<10000x1xf32> to vector<10000xf32>
    %swap3A = arith.constant 0 : index
    %swap3A_33 = vector.load %arg6[%swap3A] : memref<10000xf32, #tpu.memory_space<vmem>>, vector<10000xf32>
    tpu.vector_store %arg6[%swap3A], %squeeze3A {strides = array<i32>} : memref<10000xf32, #tpu.memory_space<vmem>>, vector<10000xf32>,
    return
  }
}

</mosaic_0001>

<sc_bundles>
// kernel: kernel.11.cloned.1.call-start
scs
__scs_entry_jumppad:
0x0: {  	(pc) =	sbr.rel $0x88, $3  }
0x1: {  	(tag) =	ssettag $0x0;
	lr =	simm.s32 $0x1  }
0x2: {  	[smem:$0x3F99] =	sst lr;
	_ =	strace $0xD0000000  }
0x3: {  	_ = 	snop  }
0x4: {  	_ = 	snop  }
0x5: {  	_ = 	snop  }
0x6: {  	_ = 	snop  }
0x7: {  	_ = 	snop  }
__scs_overlays_trampoline_lowered:
0x8: {  	[smem:$0x3FA8] =	sst s0  }
0x9: {  	[smem:$0x3FA9] =	sst s1  }
0xa: {  	[smem:$0x3FAA] =	sst s2  }
0xb: {  	[smem:$0x3FAB] =	sst s3  }
0xc: {  	[smem:$0x3FAC] =	sst s4  }
0xd: {  	[smem:$0x3FAD] =	sst s5  }
0xe: {  	[smem:$0x3FAE] =	sst s6  }
0xf: {  	[smem:$0x3FAF] =	sst s7  }
0x10: {  	[smem:$0x3FB0] =	sst s8  }
0x11: {  	[smem:$0x3FB1] =	sst s9;
	s0 =	simm.s32 @!p0 $0x0  }
0x12: {  	s1 =	sld [smem:$0x3F97];
	s0 =	simm.s32 @p0 $0x1  }
0x13: {  	[smem:$0x3FB2] =	sst s0;
	s0 =	simm.s32 @!p1 $0x0  }
0x14: {  	s2 =	sld [smem:$0x3F96];
	s0 =	simm.s32 @p1 $0x1  }
0x15: {  	[smem:$0x3FB3] =	sst s0;
	s0 =	simm.s32 @!p2 $0x0  }
0x16: {  	s3 =	sld [smem:$0x3FDB];
	s0 =	simm.s32 @p2 $0x1  }
0x17: {  	s4 =	simm.s32 $0x1BF5;
	[smem:$0x3FB5] =	sst s0  }
0x18: {  	s0 =	sld [smem:$0x3F98];
	_ =	swait.ge [sflag:s4], $0x0  }
0x19: {  	s7 =	sld [smem:$0x3F99]  }
0x1a: {  	s8 =	sadd.s32 $0xFFFFE003, lr  }
0x1b: {  	s9 =	sadd.s32 $0xFFFFFEF7, lr;
	s5 =	simm.s32 $0xFFFFFFFF;
	p2 =	slt.u32 s8, $0xFFFFF086  }
0x1c: {  	p1 =	slt.u32 s9, $0xF7A;
	s5 =	simm.s32 @!p2 $0x0  }
0x1d: {  	s5 =	simm.s32 @p1 $0x1;
	p0 =	seq.s32 s7, s2  }
0x1e: {  	s7 =	smul.u32 @!p0 $0xF7A, s2;
	p2 =	seq.s32 @!p0 s5, $0x0  }
0x1f: {  	s9 =	smul.u32 $0xF7A, s1;
	s8 =	simm.s32 @!p0 $0x1BF5;
	p2 =	por !p2, p0  }
0x20: {  	[sflag:s8] =	ssyncset.s32 @!p0 $0xFFFFF086;
	s6 =	sadd.s32 @!p0 s3, s7;
	s7 =	simm.s32 @!p0 $0x108  }
0x21: {  	s3 =	sadd.s32 s3, s9;
	s6 =	sadd.s32 @!p0 $0x88, s6;
	s7 =	simm.s32 @p2 $0x1082  }
0x22: {  	[simem:s7], [sflag:s8] =	dma.local @!p0 [hbm:s6], $0xF7A  }
0x23: {  	s9 =	sor.u32 $0xD0000000, s2;
	s6 =	simm.s32 $0x108;
	_ =	swait.ge @!p0 [sflag:s8], $0x0  }
0x24: {  	s3 =	sadd.s32 $0x88, s3;
	s6 =	simm.s32 @!p1 $0x1082;
	[sflag:s4] =	ssyncset.s32 $0xFFFFF086  }
0x25: {  	[simem:s6], [sflag:s4] =	dma.local [hbm:s3], $0xF7A  }
0x26: {  	[smem:$0x3F99] =	sst s1;
	(tag) =	ssettag s2;
	_ =	strace s9  }
0x27: {  	s1 =	sld [smem:$0x3FA9]  }
0x28: {  	s2 =	sld [smem:$0x3FAA]  }
0x29: {  	s4 =	sld [smem:$0x3FAC]  }
0x2a: {  	p0 =	seq.s32 s5, $0x0;
	s5 =	sld [smem:$0x3FAD]  }
0x2b: {  	s6 =	sld [smem:$0x3FAE]  }
0x2c: {  	s7 =	sld [smem:$0x3FAF]  }
0x2d: {  	s3 =	simm.s32 $0x108;
	s8 =	sld [smem:$0x3FB0]  }
0x2e: {  	s3 =	simm.s32 @!p0 $0x1082;
	s9 =	sld [smem:$0x3FB1]  }
0x2f: {  	lr =	sadd.s32 s0, s3;
	s0 =	sld [smem:$0x3FA8]  }
0x30: {  	s3 =	sld [smem:$0x3FAB]  }
0x31: {  	[smem:$0x3FB4] =	sst s10  }
0x32: {  	s10 =	sld [smem:$0x3FB2];
	_ =	sdelay $0x3  }
0x33: {  	p0 =	seq.s32 s10, $0x1;
	s10 =	sld [smem:$0x3FB4];
	_ =	sdelay $0x3  }
0x34: {  	[smem:$0x3FB4] =	sst s10  }
0x35: {  	s10 =	sld [smem:$0x3FB3];
	_ =	sdelay $0x3  }
0x36: {  	p1 =	seq.s32 s10, $0x1;
	s10 =	sld [smem:$0x3FB4];
	_ =	sdelay $0x3  }
0x37: {  	[smem:$0x3FB4] =	sst s10  }
0x38: {  	s10 =	sld [smem:$0x3FB5]  }
0x39: {  	_ = 	snop;
	(pc) =	sbr.ind lr, $3  }
0x3a: {  	_ = 	snop  }
0x3b: {  	_ = 	snop  }
0x3c: {  	p2 =	seq.s32 s10, $0x1;
	s10 =	sld [smem:$0x3FB4]  }
0x3d: {  	_ =	shalt  }
0x3e: {  	_ =	shalt  }
0x3f: {  	_ =	shalt  }
0x40: {  	_ =	shalt  }
0x41: {  	_ =	shalt  }
0x42: {  	_ =	shalt  }
0x43: {  	_ =	shalt  }
0x44: {  	_ =	shalt  }
0x45: {  	_ =	shalt  }
0x46: {  	_ =	shalt  }
0x47: {  	_ =	shalt  }
0x48: {  	_ =	shalt  }
0x49: {  	_ =	shalt  }
0x4a: {  	_ =	shalt  }
0x4b: {  	_ =	shalt  }
0x4c: {  	_ =	shalt  }
0x4d: {  	_ =	shalt  }
0x4e: {  	_ =	shalt  }
0x4f: {  	_ =	shalt  }
0x50: {  	_ =	shalt  }
0x51: {  	_ =	shalt  }
0x52: {  	_ =	shalt  }
0x53: {  	_ =	shalt  }
0x54: {  	_ =	shalt  }
0x55: {  	_ =	shalt  }
0x56: {  	_ =	shalt  }
0x57: {  	_ =	shalt  }
0x58: {  	_ =	shalt  }
0x59: {  	_ =	shalt  }
0x5a: {  	_ =	shalt  }
0x5b: {  	_ =	shalt  }
0x5c: {  	_ =	shalt  }
0x5d: {  	_ =	shalt  }
0x5e: {  	_ =	shalt  }
0x5f: {  	_ =	shalt  }
0x60: {  	_ =	shalt  }
0x61: {  	_ =	shalt  }
0x62: {  	_ =	shalt  }
0x63: {  	_ =	shalt  }
0x64: {  	_ =	shalt  }
0x65: {  	_ =	shalt  }
0x66: {  	_ =	shalt  }
0x67: {  	_ =	shalt  }
0x68: {  	_ =	shalt  }
0x69: {  	_ =	shalt  }
0x6a: {  	_ =	shalt  }
0x6b: {  	_ =	shalt  }
0x6c: {  	_ =	shalt  }
0x6d: {  	_ =	shalt  }
0x6e: {  	_ =	shalt  }
0x6f: {  	_ =	shalt  }
0x70: {  	_ =	shalt  }
0x71: {  	_ =	shalt  }
0x72: {  	_ =	shalt  }
0x73: {  	_ =	shalt  }
0x74: {  	_ =	shalt  }
0x75: {  	_ =	shalt  }
0x76: {  	_ =	shalt  }
0x77: {  	_ =	shalt  }
0x78: {  	_ =	shalt  }
0x79: {  	_ =	shalt  }
0x7a: {  	_ =	shalt  }
0x7b: {  	_ =	shalt  }
0x7c: {  	_ =	shalt  }
0x7d: {  	_ =	shalt  }
0x7e: {  	_ =	shalt  }
0x7f: {  	_ =	shalt  }
0x80: {  	_ =	shalt  }
0x81: {  	_ =	shalt  }
0x82: {  	_ =	shalt  }
0x83: {  	_ =	shalt  }
0x84: {  	_ =	shalt  }
0x85: {  	_ =	shalt  }
0x86: {  	_ =	shalt  }
0x87: {  	_ =	shalt  }
.Lfunc_end0:
.L_simem_size_0:
called_computation.1_lowered:
.L_overlay_start_0:
0x88: {  	s2 =	sld [smem:$0x3FD9]  }
0x89: {  	s3 =	sld [smem:$0x3FFE];
	_ =	sdelay $0x1  }
0x8a: {  	s1 =	srdreg.scid  }
0x8b: {  	s0 =	sand.u32 $0x1, s1  }
0x8c: {  	s16 =	sshll.u32 s0, $0xA;
	s2 =	sadd.s32 s3, s2  }
0x8d: {  	s2 =	sadd.s32 s2, s16  }
0x8e: {  	[smem:$0x3FC0] =	sst s2  }
0x8f: {  	_ = 	snop  }
0x90: {  	(tm) =	ssettm $0x1  }
0x91: {  	s17 =	sld [smem:$0x3FFB];
	_ =	sdelay $0x3  }
0x92: {  	_ =	strace s17  }
0x93: {  	s2 =	sld [smem:$0x3FFC];
	_ =	sdelay $0x3  }
0x94: {  	_ =	strace s2  }
0x95: {  	s2 =	sld [smem:$0x3FFD];
	_ =	sdelay $0x3  }
0x96: {  	_ =	strace s2  }
0x97: {  	_ =	strace $0x8FFFFFFF  }
0x98: {  	s18 =	sld [smem:$0x3FDB];
	_ =	sdelay $0x1  }
0x99: {  	s19 =	simm.s32 $_scs_section_size  }
0x9a: {  	s4 =	simm.s32 $_size__tile_overlayer_lowered;
	s5 =	simm.s32 $_tile_overlayer_lowered  }
0x9b: {  	s22 =	simm.s32 $0x1BFF;
	s21 =	sshll.u32 s5, $0x1;
	s2 =	sadd.s32 s19, s18  }
0x9c: {  	s6 =	simm.s32 $0x0;
	s20 =	sshll.u32 s4, $0x1;
	s4 =	sadd.s32 s21, s2  }
0x9d: {  	[timem:s6], [sflag:s22] =	dma.local [hbm:s4], s20  }
0x9e: {  	_ =	swait.ge [sflag:s22], s20  }
0x9f: {  	s3 =	ssub.s32 $0x0, s20;
	[sflag:s22] =	ssyncset.done $0x0  }
0xa0: {  	[sflag:s22] =	ssyncadd.s32 s3;
	_ =	sdelay $0x1  }
0xa1: {  	s23 =	simm.s32 $0x1B8B  }
0xa2: {  	_ =	swait.ge [sflag:s23], $0x1  }
0xa3: {  	[sflag:s23] =	ssyncset.done $0x0  }
0xa4: {  	s25 =	simm.s32 $0x1B8E;
	s24 =	sld [smem:$0x3FFE];
	[sflag:s23] =	ssyncadd.s32 $0xFFFFFFFF  }
0xa5: {  	s26 =	simm.s32 $execute0_lowered;
	[smem:$0x3FD2] =	sst s25  }
0xa6: {  	s4 =	sshll.u32 s26, $0x1;
	_ =	strace $0x80000049;
	[dreg:$0x1] =	wrdreg $0xFFFFFFFF  }
0xa7: {  	s28 =	simm.s32 $_size_execute0_lowered;
	s2 =	sadd.s32 s2, s4;
	[dreg:$0x0] =	wrdreg $0x0  }
0xa8: {  	s4 =	sshll.u32 s28, $0x1;
	[dreg:$0x2] =	wrdreg s2  }
0xa9: {  	[dreg:$0x3] =	wrdreg s4  }
0xaa: {  	[dreg:$0x4] =	wrdreg $0xC0  }
0xab: {  	_ =	task [dreg:s6], $0x5FFFF  }
0xac: {  	[dreg:$0x1] =	wrdreg $0xFFFFFFFF  }
0xad: {  	[dreg:$0x0] =	wrdreg $0x60  }
0xae: {  	[dreg:$0x2] =	wrdreg s24  }
0xaf: {  	[dreg:$0x3] =	wrdreg $0xCF000  }
0xb0: {  	[dreg:$0x4] =	wrdreg $0x9  }
0xb1: {  	_ =	task.clear_ibuf [dreg:s6], $0x5FFFF;
	_ =	strace $0x90000049  }
0xb2: {  	s29 =	simm.s32 $0x9;
	_ =	strace $0x8000004B  }
0xb3: {  	_ =	swait.ge [sflag:s29], $0x1  }
0xb4: {  	[sflag:s29] =	ssyncadd.s32 $0xFFFFFFFF  }
0xb5: {  	_ =	strace $0x9000004B  }
0xb6: {  	_ =	sfence  }
0xb7: {  	s30 =	sld [smem:$0x0];
	_ =	sdelay $0x2  }
0xb8: {  	s31 =	sshll.u32 s1, $0xD;
	s1 =	sshrl.u32 s1, $0x2  }
0xb9: {  	s3 =	sand.u32 $0x4000, s31;
	s1 =	sadd.s32 s1, s30  }
0xba: {  	s0 =	sor.u32 s3, s0;
	s1 =	sshll.u32 s1, $0x11  }
0xbb: {  	s0 =	sor.u32 s1, s0  }
0xbc: {  	s0 =	sadd.s32 $0x8F2B, s0  }
0xbd: {  	[sflag:s0] =	ssyncadd.remote.s32 $0x1  }
0xbe: {  	_ =	sfence.sel $0xFFFF  }
0xbf: {  	[dreg:$0x0] =	wrdreg $0xFFFFFFFF;
	(pc) =	sbr.abs _section_cstart, $3  }
0xc0: {  	[dreg:$0x1] =	wrdreg $0xFFFFFFFF  }
0xc1: {  	_ =	task.clear_ibuf [dreg:s6], $0x2FFFF;
	_ =	strace $0x9FFFFFFF  }
0xc2: {  	(tm) =	ssettm $0x7FFFFFFF  }
0xc3: {  	_ =	shalt  }
tec
execute0_lowered:
.L_overlay_start_1:
0x0: {  	(tag) =	ssettag $0x1  }
0x1: {  	s0 =	rddreg [dreg:$0x0]  }
0x2: {  	s1 =	rddreg [dreg:$0x1]  }
0x3: {  	s2 =	srdreg.scid;
	s9 =	stileid.u32  }
0x4: {  	s10 =	simm.s32 $0x2780;
	s12 =	simm.s32 $0x80;
	s13 =	simm.s32 $0x4F00  }
0x5: {  	s21 =	simm.s32 $0x280;
	s22 =	simm.s32 $0x9F00;
	s24 =	simm.s32 $0x300  }
0x6: {  	s28 =	simm.s32 $0x380;
	s29 =	simm.s32 $0xBF00;
	s30 =	simm.s32 $0x1  }
0x7: {  	s31 =	simm.s32 $0x2;
	s3 =	sand.u32 $0x1, s2;
	s2 =	simm.s32 $0x0  }
0x8: {  	s26 =	smul.u32 $0x4F00, s9;
	p0 =	sne.s32 s9, $0x0;
	s4 =	sshll.u32 s3, $0x4  }
0x9: {  	[smem:$0x7FF] =	sst s2;
	s6 =	smul.u32 $0x9E00, s3;
	s3 =	ssub.s32 $0x2, s3  }
0xa: {  	s11 =	sshrl.u32 @!p0 s1, $0x3;
	s4 =	sor.u32 s9, s4;
	_ =	strace $0x8000004A  }
0xb: {  	s8 =	sshrl.u32 s3, $0x1;
	s14 =	sshrl.u32 s26, $0x3;
	s15 =	sadd.s32 s26, s1  }
0xc: {  	s9 =	simm.s32 $0x3;
	s26 =	simm.s32 $0xAF00;
	s5 =	smul.u32 $0x4F0, s4  }
0xd: {  	s4 =	sadd.s32 $0x1CC00, s0;
	s3 =	ssub.s32 s3, s8;
	s25 =	sshrl.u32 s15, $0x3  }
0xe: {  	s7 =	sadd.s32 s5, s0;
	s5 =	sadd.s32 $0x26A00, s0;
	s0 =	sadd.s32 s6, s0  }
0xf: {  	s8 =	smax.u32 s3, $0x1;
	s6 =	sadd.s32 $0x12E00, s7;
	s0 =	sadd.s32 $0x30800, s0  }
0x10: {  	s7 =	sadd.s32 $0x1800, s7;
	s23 =	sadd.s32 s14, s0;
	s0 =	simm.s32 $0x0  }
.LBB2_1:
0x11: {  	[tilespmem:s2], [sflag:$0x3] =	stream.linear.gather [hbm4b:s6+s2], $0x2780, $0x38;
	[tilespmem:$0x11E00] =	vst v63  }
0x12: {  	_ =	swait.ge [sflag:s9], $0x2780  }
0x13: {  	[sflag:s9] =	ssyncset.done $0x0  }
0x14: {  	[sflag:s9] =	ssyncadd.s32 $0xFFFFD880  }
0x15: {  	[tilespmem:s10], [sflag:$0x3] =	stream.linear.gather [hbm4b:s7+s2], $0x2780, $0x38;
	[tilespmem:$0x11E00] =	vst v63  }
0x16: {  	_ =	swait.ge [sflag:s9], $0x2780  }
0x17: {  	[sflag:s9] =	ssyncset.done $0x0  }
0x18: {  	s3 =	simm.s32 @!p0 $0x1C03;
	[sflag:s9] =	ssyncadd.s32 $0xFFFFD880  }
0x19: {  	[spmem:s11], [sflag:s3] =	dma.local @!p0 [hbm:s5], $0x9E00  }
0x1a: {  	s3 =	simm.s32 @!p0 $0x3  }
0x1b: {  	_ =	swait.ge @!p0 [sflag:s3], $0x9E00  }
0x1c: {  	[sflag:s3] =	ssyncset.done @!p0 $0x0  }
0x1d: {  	[sflag:s3] =	ssyncadd.s32 @!p0 $0xFFFF6200  }
0x1e: {  	[bflag:$0x0] =	sbarrier.arrive $0xFFFF  }
0x1f: {  	[tilespmem:s13], [sflag:$0x1] =	stream.indirect.gather [hbm4b:s4+s12], $0x20, s2, s12, $0xb8;
	[tilespmem:$0x11E00] =	vst v63  }
0x20: {  	s15 =	simm.s32 $0x5F00  }
0x21: {  	[tilespmem:s15], [sflag:$0x1] =	stream.indirect.gather [hbm4b:s4+s12], $0x20, s12, s12, $0xb8;
	[tilespmem:$0x11E00] =	vst v63  }
0x22: {  	s16 =	simm.s32 $0x100;
	s14 =	simm.s32 $0x6F00  }
0x23: {  	[tilespmem:s14], [sflag:$0x1] =	stream.indirect.gather [hbm4b:s4+s12], $0x20, s16, s12, $0xb8;
	[tilespmem:$0x11E00] =	vst v63  }
0x24: {  	s17 =	simm.s32 $0x180;
	s18 =	simm.s32 $0x7F00  }
0x25: {  	[tilespmem:s18], [sflag:$0x1] =	stream.indirect.gather [hbm4b:s4+s12], $0x20, s17, s12, $0xb8;
	[tilespmem:$0x11E00] =	vst v63  }
0x26: {  	s19 =	simm.s32 $0x200;
	s20 =	simm.s32 $0x8F00  }
0x27: {  	[tilespmem:s20], [sflag:$0x1] =	stream.indirect.gather [hbm4b:s4+s12], $0x20, s19, s12, $0xb8;
	[tilespmem:$0x11E00] =	vst v63  }
0x28: {  	_ = 	snop  }
0x29: {  	[tilespmem:s22], [sflag:$0x1] =	stream.indirect.gather [hbm4b:s4+s12], $0x20, s21, s12, $0xb8;
	[tilespmem:$0x11E00] =	vst v63  }
0x2a: {  	_ = 	snop  }
0x2b: {  	[tilespmem:s26], [sflag:$0x1] =	stream.indirect.gather [hbm4b:s4+s12], $0x20, s24, s12, $0xb8;
	[tilespmem:$0x11E00] =	vst v63  }
0x2c: {  	_ =	swait.ge [sflag:s30], $0x1000  }
0x2d: {  	[sflag:s30] =	ssyncset.done $0x0  }
0x2e: {  	s15 =	simm.s32 $0x1000;
	[sflag:s30] =	ssyncadd.s32 $0xFFFFF000  }
0x2f: {  	[spmem:s1] =	stream.indirect.scatter.add.f32 [tilespmem:s13], [sflag:$0x2], $0x20, s10, s12, $0xb8;
	[tilespmem:$0x11E00] =	vst v63  }
0x30: {  	p1 =	por $0x0, $0x0;
	s3 =	simm.s32 $0x8000;
	s15 =	sand.u32 $0x7000, s15  }
0x31: {  	[tilespmem:s29], [sflag:$0x1] =	stream.indirect.gather [hbm4b:s4+s12], $0x20, s28, s12, $0xb8;
	[tilespmem:$0x11E00] =	vst v63  }
0x32: {  	s14 =	simm.s32 $0x400;
	s16 =	simm.s32 $0x2800;
	_ =	swait.ge [sflag:s30], $0x1000  }
0x33: {  	s15 =	sadd.s32 $0x4F00, s15;
	s18 =	simm.s32 @!p1 $0x2;
	[sflag:s30] =	ssyncset.done $0x0  }
0x34: {  	s17 =	simm.s32 $0x480;
	s20 =	simm.s32 @!p1 $0x80;
	[sflag:s30] =	ssyncadd.s32 $0xFFFFF000  }
0x35: {  	[spmem:s1] =	stream.indirect.scatter.add.f32 [tilespmem:s15], [sflag:$0x2], $0x20, s16, s12, $0xb8;
	[tilespmem:$0x11E00] =	vst v63  }
0x36: {  	s15 =	simm.s32 $0x2;
	s16 =	sand.u32 @!p1 $0x7000, s3;
	_ =	swait.ge @!p1 [sflag:s18], $0x1000  }
0x37: {  	s19 =	sadd.s32 @!p1 $0x4F00, s16;
	s16 =	simm.s32 $0x2880;
	[sflag:s18] =	ssyncset.done @!p1 $0x0  }
.LBB2_2:
0x38: {  	[sflag:s18] =	ssyncadd.s32 @!p1 $0xFFFFF000  }
0x39: {  	s3 =	sadd.s32 $0x1000, s3;
	s18 =	smov.u32 s15;
	s15 =	sadd.s32 $0x1, s15  }
0x3a: {  	[tilespmem:s19], [sflag:$0x1] =	stream.indirect.gather @!p1 [hbm4b:s4+s20], $0x20, s14, s20, $0xb8;
	[tilespmem:$0x11E00] =	vst v63  }
0x3b: {  	p2 =	sne.s32 s15, $0x4F;
	s14 =	smov.u32 s17  }
0x3c: {  	s19 =	sadd.s32 $0xFFFF9000, s3;
	_ =	swait.ge [sflag:s30], $0x1000  }
0x3d: {  	p1 =	sgt.u32 s18, $0x47;
	s19 =	sand.u32 $0x7000, s19;
	[sflag:s30] =	ssyncset.done $0x0  }
.Ltmp0:
0x3e: {  	s19 =	sadd.s32 $0x4F00, s19;
	[sflag:s30] =	ssyncadd.s32 $0xFFFFF000;
	(pc) =	sbr.rel @p2 .LBB2_2-.Ltmp0, $4  }
0x3f: {  	[spmem:s1] =	stream.indirect.scatter.add.f32 [tilespmem:s19], [sflag:$0x2], $0x20, s16, s12, $0xb8;
	[tilespmem:$0x11E00] =	vst v63  }
0x40: {  	s18 =	simm.s32 @!p1 $0x2;
	s19 =	sand.u32 @!p1 $0x7000, s3  }
0x41: {  	s16 =	sadd.s32 $0x80, s16;
	s19 =	sadd.s32 @!p1 $0x4F00, s19;
	_ =	swait.ge @!p1 [sflag:s18], $0x1000  }
0x42: {  	s17 =	sadd.s32 $0x80, s17;
	s20 =	simm.s32 @!p1 $0x80;
	[sflag:s18] =	ssyncset.done @!p1 $0x0  }
0x43: {  	[sflag:s18] =	ssyncadd.s32 @!p1 $0xFFFFF000  }
0x44: {  	[tilespmem:s19], [sflag:$0x1] =	stream.indirect.gather @!p1 [hbm4b:s4+s20], $0x20, s14, s20, $0xb8;
	[tilespmem:$0x11E00] =	vst v63  }
0x45: {  	_ =	swait.ge [sflag:s31], $0x1000  }
0x46: {  	[sflag:s31] =	ssyncset.done $0x0  }
0x47: {  	[sflag:s31] =	ssyncadd.s32 $0xFFFFF000  }
0x48: {  	_ =	swait.ge [sflag:s31], $0x1000  }
0x49: {  	[sflag:s31] =	ssyncset.done $0x0  }
0x4a: {  	[sflag:s31] =	ssyncadd.s32 $0xFFFFF000  }
0x4b: {  	_ =	swait.ge [sflag:s31], $0x1000  }
0x4c: {  	[sflag:s31] =	ssyncset.done $0x0  }
0x4d: {  	[sflag:s31] =	ssyncadd.s32 $0xFFFFF000  }
0x4e: {  	_ =	swait.ge [sflag:s31], $0x1000  }
0x4f: {  	[sflag:s31] =	ssyncset.done $0x0  }
0x50: {  	[sflag:s31] =	ssyncadd.s32 $0xFFFFF000  }
0x51: {  	_ =	swait.ge [sflag:s31], $0x1000  }
0x52: {  	[sflag:s31] =	ssyncset.done $0x0  }
0x53: {  	[sflag:s31] =	ssyncadd.s32 $0xFFFFF000  }
0x54: {  	_ =	swait.ge [sflag:s31], $0x1000  }
0x55: {  	[sflag:s31] =	ssyncset.done $0x0  }
0x56: {  	[sflag:s31] =	ssyncadd.s32 $0xFFFFF000  }
0x57: {  	_ =	swait.ge [sflag:s31], $0x1000  }
0x58: {  	[sflag:s31] =	ssyncset.done $0x0  }
0x59: {  	[sflag:s31] =	ssyncadd.s32 $0xFFFFF000  }
0x5a: {  	_ =	swait.ge [sflag:s31], $0x1000  }
0x5b: {  	s3 =	stileid.u32;
	s0 =	sadd.s32 $0x1, s0;
	[sflag:s31] =	ssyncset.done $0x0  }
0x5c: {  	s3 =	sshll.u32 s3, $0x6;
	p1 =	sne.s32 s0, s8;
	[sflag:s31] =	ssyncadd.s32 $0xFFFFF000  }
.Ltmp1:
0x5d: {  	s3 =	sor.u32 $0x1C03, s3;
	[bflag:$0x0] =	sbarrier.arrive $0xFFFF;
	(pc) =	sbr.rel @p1 .LBB2_1-.Ltmp1, $4  }
0x5e: {  	[hbm:s23], [sflag:s3] =	dma.local [spmem:s25], $0x9E0  }
0x5f: {  	_ =	swait.ge [sflag:s9], $0x9E0  }
0x60: {  	[sflag:s9] =	ssyncset.done $0x0  }
0x61: {  	[sflag:s9] =	ssyncadd.s32 $0xFFFFF620  }
0x62: {  	_ =	sfence.sel $0x180000  }
0x63: {  	[bflag:$0x0] =	sbarrier.arrive $0xFFFF  }
0x64: {  	_ =	strace $0x9000004A  }
0x65: {  	[bflag:$0x2] =	sbarrier.arrive $0xFFFF  }
0x66: {  	s0 =	rddreg [dreg:$0x2]  }
0x67: {  	s0 =	sadd.s32 @!p0 $0x100000, s0  }
0x68: {  	[sflag:s0] =	ssyncadd.tile.s32 @!p0 $0x1;
	_ =	shalt  }
.Lfunc_end2:
_tile_overlayer_lowered:
.L_overlay_start_2:
0x69: {  	(tag) =	ssettag $0x2  }
0x6a: {  	s0 =	rddreg [dreg:$0x0];
	s2 =	stileid.u32  }
0x6b: {  	s1 =	rddreg [dreg:$0x1];
	p0 =	sne.s32 s2, $0x0  }
0x6c: {  	s3 =	rddreg [dreg:$0x2];
	[bflag:$0x3] =	sbarrier.arrive $0xFFFF;
	s2 =	simm.s32 @!p0 $0x1C03  }
0x6d: {  	[timem:s3], [sflag:s2] =	dma.local @!p0 [hbm:s0], s1  }
0x6e: {  	s0 =	simm.s32 @!p0 $0x3  }
0x6f: {  	_ =	swait.ge @!p0 [sflag:s0], s1  }
0x70: {  	s1 =	ssub.s32 @!p0 $0x0, s1;
	[sflag:s0] =	ssyncset.done @!p0 $0x0  }
0x71: {  	[sflag:s0] =	ssyncadd.s32 @!p0 s1  }
0x72: {  	[bflag:$0x3] =	sbarrier.arrive $0xFFFF  }
0x73: {  	_ =	shalt  }

// kernel: kernel.14.cloned.1.call-start
scs
__scs_entry_jumppad:
0x0: {  	(pc) =	sbr.rel $0x88, $3  }
0x1: {  	(tag) =	ssettag $0x0;
	lr =	simm.s32 $0x1  }
0x2: {  	[smem:$0x3F99] =	sst lr;
	_ =	strace $0xD0000000  }
0x3: {  	_ = 	snop  }
0x4: {  	_ = 	snop  }
0x5: {  	_ = 	snop  }
0x6: {  	_ = 	snop  }
0x7: {  	_ = 	snop  }
__scs_overlays_trampoline_lowered:
0x8: {  	[smem:$0x3FA8] =	sst s0  }
0x9: {  	[smem:$0x3FA9] =	sst s1  }
0xa: {  	[smem:$0x3FAA] =	sst s2  }
0xb: {  	[smem:$0x3FAB] =	sst s3  }
0xc: {  	[smem:$0x3FAC] =	sst s4  }
0xd: {  	[smem:$0x3FAD] =	sst s5  }
0xe: {  	[smem:$0x3FAE] =	sst s6  }
0xf: {  	[smem:$0x3FAF] =	sst s7  }
0x10: {  	[smem:$0x3FB0] =	sst s8  }
0x11: {  	[smem:$0x3FB1] =	sst s9;
	s0 =	simm.s32 @!p0 $0x0  }
0x12: {  	s1 =	sld [smem:$0x3F97];
	s0 =	simm.s32 @p0 $0x1  }
0x13: {  	[smem:$0x3FB2] =	sst s0;
	s0 =	simm.s32 @!p1 $0x0  }
0x14: {  	s2 =	sld [smem:$0x3F96];
	s0 =	simm.s32 @p1 $0x1  }
0x15: {  	[smem:$0x3FB3] =	sst s0;
	s0 =	simm.s32 @!p2 $0x0  }
0x16: {  	s3 =	sld [smem:$0x3FDB];
	s0 =	simm.s32 @p2 $0x1  }
0x17: {  	s4 =	simm.s32 $0x1BF5;
	[smem:$0x3FB5] =	sst s0  }
0x18: {  	s0 =	sld [smem:$0x3F98];
	_ =	swait.ge [sflag:s4], $0x0  }
0x19: {  	s7 =	sld [smem:$0x3F99]  }
0x1a: {  	s8 =	sadd.s32 $0xFFFFE003, lr  }
0x1b: {  	s9 =	sadd.s32 $0xFFFFFEF7, lr;
	s5 =	simm.s32 $0xFFFFFFFF;
	p2 =	slt.u32 s8, $0xFFFFF086  }
0x1c: {  	p1 =	slt.u32 s9, $0xF7A;
	s5 =	simm.s32 @!p2 $0x0  }
0x1d: {  	s5 =	simm.s32 @p1 $0x1;
	p0 =	seq.s32 s7, s2  }
0x1e: {  	s7 =	smul.u32 @!p0 $0xF7A, s2;
	p2 =	seq.s32 @!p0 s5, $0x0  }
0x1f: {  	s9 =	smul.u32 $0xF7A, s1;
	s8 =	simm.s32 @!p0 $0x1BF5;
	p2 =	por !p2, p0  }
0x20: {  	[sflag:s8] =	ssyncset.s32 @!p0 $0xFFFFF086;
	s6 =	sadd.s32 @!p0 s3, s7;
	s7 =	simm.s32 @!p0 $0x108  }
0x21: {  	s3 =	sadd.s32 s3, s9;
	s6 =	sadd.s32 @!p0 $0x88, s6;
	s7 =	simm.s32 @p2 $0x1082  }
0x22: {  	[simem:s7], [sflag:s8] =	dma.local @!p0 [hbm:s6], $0xF7A  }
0x23: {  	s9 =	sor.u32 $0xD0000000, s2;
	s6 =	simm.s32 $0x108;
	_ =	swait.ge @!p0 [sflag:s8], $0x0  }
0x24: {  	s3 =	sadd.s32 $0x88, s3;
	s6 =	simm.s32 @!p1 $0x1082;
	[sflag:s4] =	ssyncset.s32 $0xFFFFF086  }
0x25: {  	[simem:s6], [sflag:s4] =	dma.local [hbm:s3], $0xF7A  }
0x26: {  	[smem:$0x3F99] =	sst s1;
	(tag) =	ssettag s2;
	_ =	strace s9  }
0x27: {  	s1 =	sld [smem:$0x3FA9]  }
0x28: {  	s2 =	sld [smem:$0x3FAA]  }
0x29: {  	s4 =	sld [smem:$0x3FAC]  }
0x2a: {  	p0 =	seq.s32 s5, $0x0;
	s5 =	sld [smem:$0x3FAD]  }
0x2b: {  	s6 =	sld [smem:$0x3FAE]  }
0x2c: {  	s7 =	sld [smem:$0x3FAF]  }
0x2d: {  	s3 =	simm.s32 $0x108;
	s8 =	sld [smem:$0x3FB0]  }
0x2e: {  	s3 =	simm.s32 @!p0 $0x1082;
	s9 =	sld [smem:$0x3FB1]  }
0x2f: {  	lr =	sadd.s32 s0, s3;
	s0 =	sld [smem:$0x3FA8]  }
0x30: {  	s3 =	sld [smem:$0x3FAB]  }
0x31: {  	[smem:$0x3FB4] =	sst s10  }
0x32: {  	s10 =	sld [smem:$0x3FB2];
	_ =	sdelay $0x3  }
0x33: {  	p0 =	seq.s32 s10, $0x1;
	s10 =	sld [smem:$0x3FB4];
	_ =	sdelay $0x3  }
0x34: {  	[smem:$0x3FB4] =	sst s10  }
0x35: {  	s10 =	sld [smem:$0x3FB3];
	_ =	sdelay $0x3  }
0x36: {  	p1 =	seq.s32 s10, $0x1;
	s10 =	sld [smem:$0x3FB4];
	_ =	sdelay $0x3  }
0x37: {  	[smem:$0x3FB4] =	sst s10  }
0x38: {  	s10 =	sld [smem:$0x3FB5]  }
0x39: {  	_ = 	snop;
	(pc) =	sbr.ind lr, $3  }
0x3a: {  	_ = 	snop  }
0x3b: {  	_ = 	snop  }
0x3c: {  	p2 =	seq.s32 s10, $0x1;
	s10 =	sld [smem:$0x3FB4]  }
0x3d: {  	_ =	shalt  }
0x3e: {  	_ =	shalt  }
0x3f: {  	_ =	shalt  }
0x40: {  	_ =	shalt  }
0x41: {  	_ =	shalt  }
0x42: {  	_ =	shalt  }
0x43: {  	_ =	shalt  }
0x44: {  	_ =	shalt  }
0x45: {  	_ =	shalt  }
0x46: {  	_ =	shalt  }
0x47: {  	_ =	shalt  }
0x48: {  	_ =	shalt  }
0x49: {  	_ =	shalt  }
0x4a: {  	_ =	shalt  }
0x4b: {  	_ =	shalt  }
0x4c: {  	_ =	shalt  }
0x4d: {  	_ =	shalt  }
0x4e: {  	_ =	shalt  }
0x4f: {  	_ =	shalt  }
0x50: {  	_ =	shalt  }
0x51: {  	_ =	shalt  }
0x52: {  	_ =	shalt  }
0x53: {  	_ =	shalt  }
0x54: {  	_ =	shalt  }
0x55: {  	_ =	shalt  }
0x56: {  	_ =	shalt  }
0x57: {  	_ =	shalt  }
0x58: {  	_ =	shalt  }
0x59: {  	_ =	shalt  }
0x5a: {  	_ =	shalt  }
0x5b: {  	_ =	shalt  }
0x5c: {  	_ =	shalt  }
0x5d: {  	_ =	shalt  }
0x5e: {  	_ =	shalt  }
0x5f: {  	_ =	shalt  }
0x60: {  	_ =	shalt  }
0x61: {  	_ =	shalt  }
0x62: {  	_ =	shalt  }
0x63: {  	_ =	shalt  }
0x64: {  	_ =	shalt  }
0x65: {  	_ =	shalt  }
0x66: {  	_ =	shalt  }
0x67: {  	_ =	shalt  }
0x68: {  	_ =	shalt  }
0x69: {  	_ =	shalt  }
0x6a: {  	_ =	shalt  }
0x6b: {  	_ =	shalt  }
0x6c: {  	_ =	shalt  }
0x6d: {  	_ =	shalt  }
0x6e: {  	_ =	shalt  }
0x6f: {  	_ =	shalt  }
0x70: {  	_ =	shalt  }
0x71: {  	_ =	shalt  }
0x72: {  	_ =	shalt  }
0x73: {  	_ =	shalt  }
0x74: {  	_ =	shalt  }
0x75: {  	_ =	shalt  }
0x76: {  	_ =	shalt  }
0x77: {  	_ =	shalt  }
0x78: {  	_ =	shalt  }
0x79: {  	_ =	shalt  }
0x7a: {  	_ =	shalt  }
0x7b: {  	_ =	shalt  }
0x7c: {  	_ =	shalt  }
0x7d: {  	_ =	shalt  }
0x7e: {  	_ =	shalt  }
0x7f: {  	_ =	shalt  }
0x80: {  	_ =	shalt  }
0x81: {  	_ =	shalt  }
0x82: {  	_ =	shalt  }
0x83: {  	_ =	shalt  }
0x84: {  	_ =	shalt  }
0x85: {  	_ =	shalt  }
0x86: {  	_ =	shalt  }
0x87: {  	_ =	shalt  }
.Lfunc_end0:
.L_simem_size_0:
called_computation.2_lowered:
.L_overlay_start_0:
0x88: {  	s2 =	sld [smem:$0x3FD9]  }
0x89: {  	s3 =	sld [smem:$0x3FFE];
	_ =	sdelay $0x1  }
0x8a: {  	s1 =	srdreg.scid  }
0x8b: {  	s0 =	sand.u32 $0x1, s1  }
0x8c: {  	s16 =	sshll.u32 s0, $0xA;
	s2 =	sadd.s32 s3, s2  }
0x8d: {  	s2 =	sadd.s32 s2, s16  }
0x8e: {  	[smem:$0x3FC0] =	sst s2  }
0x8f: {  	_ = 	snop  }
0x90: {  	(tm) =	ssettm $0x1  }
0x91: {  	s17 =	sld [smem:$0x3FFB];
	_ =	sdelay $0x3  }
0x92: {  	_ =	strace s17  }
0x93: {  	s2 =	sld [smem:$0x3FFC];
	_ =	sdelay $0x3  }
0x94: {  	_ =	strace s2  }
0x95: {  	s2 =	sld [smem:$0x3FFD];
	_ =	sdelay $0x3  }
0x96: {  	_ =	strace s2  }
0x97: {  	_ =	strace $0x8FFFFFFF  }
0x98: {  	s18 =	sld [smem:$0x3FDB];
	_ =	sdelay $0x1  }
0x99: {  	s19 =	simm.s32 $_scs_section_size  }
0x9a: {  	s4 =	simm.s32 $_size__tile_overlayer_lowered;
	s5 =	simm.s32 $_tile_overlayer_lowered  }
0x9b: {  	s22 =	simm.s32 $0x1BFF;
	s21 =	sshll.u32 s5, $0x1;
	s2 =	sadd.s32 s19, s18  }
0x9c: {  	s6 =	simm.s32 $0x0;
	s20 =	sshll.u32 s4, $0x1;
	s4 =	sadd.s32 s21, s2  }
0x9d: {  	[timem:s6], [sflag:s22] =	dma.local [hbm:s4], s20  }
0x9e: {  	_ =	swait.ge [sflag:s22], s20  }
0x9f: {  	s3 =	ssub.s32 $0x0, s20;
	[sflag:s22] =	ssyncset.done $0x0  }
0xa0: {  	[sflag:s22] =	ssyncadd.s32 s3;
	_ =	sdelay $0x1  }
0xa1: {  	s23 =	simm.s32 $0x1B8B  }
0xa2: {  	_ =	swait.ge [sflag:s23], $0x1  }
0xa3: {  	[sflag:s23] =	ssyncset.done $0x0  }
0xa4: {  	s25 =	simm.s32 $0x1B8E;
	s24 =	sld [smem:$0x3FFE];
	[sflag:s23] =	ssyncadd.s32 $0xFFFFFFFF  }
0xa5: {  	s26 =	simm.s32 $execute0_lowered;
	[smem:$0x3FD2] =	sst s25  }
0xa6: {  	s4 =	sshll.u32 s26, $0x1;
	_ =	strace $0x8000004C;
	[dreg:$0x1] =	wrdreg $0xFFFFFFFF  }
0xa7: {  	s28 =	simm.s32 $_size_execute0_lowered;
	s2 =	sadd.s32 s2, s4;
	[dreg:$0x0] =	wrdreg $0x0  }
0xa8: {  	s4 =	sshll.u32 s28, $0x1;
	[dreg:$0x2] =	wrdreg s2  }
0xa9: {  	[dreg:$0x3] =	wrdreg s4  }
0xaa: {  	[dreg:$0x4] =	wrdreg $0xC0  }
0xab: {  	_ =	task [dreg:s6], $0x5FFFF  }
0xac: {  	[dreg:$0x1] =	wrdreg $0xFFFFFFFF  }
0xad: {  	[dreg:$0x0] =	wrdreg $0x60  }
0xae: {  	[dreg:$0x2] =	wrdreg s24  }
0xaf: {  	[dreg:$0x3] =	wrdreg $0xCF000  }
0xb0: {  	[dreg:$0x4] =	wrdreg $0x9  }
0xb1: {  	_ =	task.clear_ibuf [dreg:s6], $0x5FFFF;
	_ =	strace $0x9000004C  }
0xb2: {  	s29 =	simm.s32 $0x9;
	_ =	strace $0x8000004E  }
0xb3: {  	_ =	swait.ge [sflag:s29], $0x1  }
0xb4: {  	[sflag:s29] =	ssyncadd.s32 $0xFFFFFFFF  }
0xb5: {  	_ =	strace $0x9000004E  }
0xb6: {  	_ =	sfence  }
0xb7: {  	s30 =	sld [smem:$0x0];
	_ =	sdelay $0x2  }
0xb8: {  	s31 =	sshll.u32 s1, $0xD;
	s1 =	sshrl.u32 s1, $0x2  }
0xb9: {  	s3 =	sand.u32 $0x4000, s31;
	s1 =	sadd.s32 s1, s30  }
0xba: {  	s0 =	sor.u32 s3, s0;
	s1 =	sshll.u32 s1, $0x11  }
0xbb: {  	s0 =	sor.u32 s1, s0  }
0xbc: {  	s0 =	sadd.s32 $0x8F2B, s0  }
0xbd: {  	[sflag:s0] =	ssyncadd.remote.s32 $0x1  }
0xbe: {  	_ =	sfence.sel $0xFFFF  }
0xbf: {  	[dreg:$0x0] =	wrdreg $0xFFFFFFFF;
	(pc) =	sbr.abs _section_cstart, $3  }
0xc0: {  	[dreg:$0x1] =	wrdreg $0xFFFFFFFF  }
0xc1: {  	_ =	task.clear_ibuf [dreg:s6], $0x2FFFF;
	_ =	strace $0x9FFFFFFF  }
0xc2: {  	(tm) =	ssettm $0x7FFFFFFF  }
0xc3: {  	_ =	shalt  }
tec
execute0_lowered:
.L_overlay_start_1:
0x0: {  	(tag) =	ssettag $0x1  }
0x1: {  	s0 =	rddreg [dreg:$0x0]  }
0x2: {  	s1 =	rddreg [dreg:$0x1]  }
0x3: {  	s2 =	srdreg.scid;
	s9 =	stileid.u32  }
0x4: {  	s10 =	simm.s32 $0x2780;
	s12 =	simm.s32 $0x80;
	s13 =	simm.s32 $0x4F00  }
0x5: {  	s21 =	simm.s32 $0x280;
	s22 =	simm.s32 $0x9F00;
	s24 =	simm.s32 $0x300  }
0x6: {  	s28 =	simm.s32 $0x380;
	s29 =	simm.s32 $0xBF00;
	s30 =	simm.s32 $0x1  }
0x7: {  	s31 =	simm.s32 $0x2;
	s3 =	sand.u32 $0x1, s2;
	s2 =	simm.s32 $0x0  }
0x8: {  	s26 =	smul.u32 $0x4F00, s9;
	p0 =	sne.s32 s9, $0x0;
	s4 =	sshll.u32 s3, $0x4  }
0x9: {  	[smem:$0x7FF] =	sst s2;
	s6 =	smul.u32 $0x9E00, s3;
	s3 =	ssub.s32 $0x2, s3  }
0xa: {  	s11 =	sshrl.u32 @!p0 s1, $0x3;
	s4 =	sor.u32 s9, s4;
	_ =	strace $0x8000004D  }
0xb: {  	s8 =	sshrl.u32 s3, $0x1;
	s14 =	sshrl.u32 s26, $0x3;
	s15 =	sadd.s32 s26, s1  }
0xc: {  	s9 =	simm.s32 $0x3;
	s26 =	simm.s32 $0xAF00;
	s5 =	smul.u32 $0x4F0, s4  }
0xd: {  	s4 =	sadd.s32 $0x1CC00, s0;
	s3 =	ssub.s32 s3, s8;
	s25 =	sshrl.u32 s15, $0x3  }
0xe: {  	s7 =	sadd.s32 s5, s0;
	s5 =	sadd.s32 $0x26A00, s0;
	s0 =	sadd.s32 s6, s0  }
0xf: {  	s8 =	smax.u32 s3, $0x1;
	s6 =	sadd.s32 $0x12E00, s7;
	s0 =	sadd.s32 $0x30800, s0  }
0x10: {  	s7 =	sadd.s32 $0x1800, s7;
	s23 =	sadd.s32 s14, s0;
	s0 =	simm.s32 $0x0  }
.LBB2_1:
0x11: {  	[tilespmem:s2], [sflag:$0x3] =	stream.linear.gather [hbm4b:s6+s2], $0x2780, $0x38;
	[tilespmem:$0x11E00] =	vst v63  }
0x12: {  	_ =	swait.ge [sflag:s9], $0x2780  }
0x13: {  	[sflag:s9] =	ssyncset.done $0x0  }
0x14: {  	[sflag:s9] =	ssyncadd.s32 $0xFFFFD880  }
0x15: {  	[tilespmem:s10], [sflag:$0x3] =	stream.linear.gather [hbm4b:s7+s2], $0x2780, $0x38;
	[tilespmem:$0x11E00] =	vst v63  }
0x16: {  	_ =	swait.ge [sflag:s9], $0x2780  }
0x17: {  	[sflag:s9] =	ssyncset.done $0x0  }
0x18: {  	s3 =	simm.s32 @!p0 $0x1C03;
	[sflag:s9] =	ssyncadd.s32 $0xFFFFD880  }
0x19: {  	[spmem:s11], [sflag:s3] =	dma.local @!p0 [hbm:s5], $0x9E00  }
0x1a: {  	s3 =	simm.s32 @!p0 $0x3  }
0x1b: {  	_ =	swait.ge @!p0 [sflag:s3], $0x9E00  }
0x1c: {  	[sflag:s3] =	ssyncset.done @!p0 $0x0  }
0x1d: {  	[sflag:s3] =	ssyncadd.s32 @!p0 $0xFFFF6200  }
0x1e: {  	[bflag:$0x0] =	sbarrier.arrive $0xFFFF  }
0x1f: {  	[tilespmem:s13], [sflag:$0x1] =	stream.indirect.gather [hbm4b:s4+s12], $0x20, s2, s12, $0xb8;
	[tilespmem:$0x11E00] =	vst v63  }
0x20: {  	s15 =	simm.s32 $0x5F00  }
0x21: {  	[tilespmem:s15], [sflag:$0x1] =	stream.indirect.gather [hbm4b:s4+s12], $0x20, s12, s12, $0xb8;
	[tilespmem:$0x11E00] =	vst v63  }
0x22: {  	s16 =	simm.s32 $0x100;
	s14 =	simm.s32 $0x6F00  }
0x23: {  	[tilespmem:s14], [sflag:$0x1] =	stream.indirect.gather [hbm4b:s4+s12], $0x20, s16, s12, $0xb8;
	[tilespmem:$0x11E00] =	vst v63  }
0x24: {  	s17 =	simm.s32 $0x180;
	s18 =	simm.s32 $0x7F00  }
0x25: {  	[tilespmem:s18], [sflag:$0x1] =	stream.indirect.gather [hbm4b:s4+s12], $0x20, s17, s12, $0xb8;
	[tilespmem:$0x11E00] =	vst v63  }
0x26: {  	s19 =	simm.s32 $0x200;
	s20 =	simm.s32 $0x8F00  }
0x27: {  	[tilespmem:s20], [sflag:$0x1] =	stream.indirect.gather [hbm4b:s4+s12], $0x20, s19, s12, $0xb8;
	[tilespmem:$0x11E00] =	vst v63  }
0x28: {  	_ = 	snop  }
0x29: {  	[tilespmem:s22], [sflag:$0x1] =	stream.indirect.gather [hbm4b:s4+s12], $0x20, s21, s12, $0xb8;
	[tilespmem:$0x11E00] =	vst v63  }
0x2a: {  	_ = 	snop  }
0x2b: {  	[tilespmem:s26], [sflag:$0x1] =	stream.indirect.gather [hbm4b:s4+s12], $0x20, s24, s12, $0xb8;
	[tilespmem:$0x11E00] =	vst v63  }
0x2c: {  	_ =	swait.ge [sflag:s30], $0x1000  }
0x2d: {  	[sflag:s30] =	ssyncset.done $0x0  }
0x2e: {  	s15 =	simm.s32 $0x1000;
	[sflag:s30] =	ssyncadd.s32 $0xFFFFF000  }
0x2f: {  	[spmem:s1] =	stream.indirect.scatter.add.f32 [tilespmem:s13], [sflag:$0x2], $0x20, s10, s12, $0xb8;
	[tilespmem:$0x11E00] =	vst v63  }
0x30: {  	p1 =	por $0x0, $0x0;
	s3 =	simm.s32 $0x8000;
	s15 =	sand.u32 $0x7000, s15  }
0x31: {  	[tilespmem:s29], [sflag:$0x1] =	stream.indirect.gather [hbm4b:s4+s12], $0x20, s28, s12, $0xb8;
	[tilespmem:$0x11E00] =	vst v63  }
0x32: {  	s14 =	simm.s32 $0x400;
	s16 =	simm.s32 $0x2800;
	_ =	swait.ge [sflag:s30], $0x1000  }
0x33: {  	s15 =	sadd.s32 $0x4F00, s15;
	s18 =	simm.s32 @!p1 $0x2;
	[sflag:s30] =	ssyncset.done $0x0  }
0x34: {  	s17 =	simm.s32 $0x480;
	s20 =	simm.s32 @!p1 $0x80;
	[sflag:s30] =	ssyncadd.s32 $0xFFFFF000  }
0x35: {  	[spmem:s1] =	stream.indirect.scatter.add.f32 [tilespmem:s15], [sflag:$0x2], $0x20, s16, s12, $0xb8;
	[tilespmem:$0x11E00] =	vst v63  }
0x36: {  	s15 =	simm.s32 $0x2;
	s16 =	sand.u32 @!p1 $0x7000, s3;
	_ =	swait.ge @!p1 [sflag:s18], $0x1000  }
0x37: {  	s19 =	sadd.s32 @!p1 $0x4F00, s16;
	s16 =	simm.s32 $0x2880;
	[sflag:s18] =	ssyncset.done @!p1 $0x0  }
.LBB2_2:
0x38: {  	[sflag:s18] =	ssyncadd.s32 @!p1 $0xFFFFF000  }
0x39: {  	s3 =	sadd.s32 $0x1000, s3;
	s18 =	smov.u32 s15;
	s15 =	sadd.s32 $0x1, s15  }
0x3a: {  	[tilespmem:s19], [sflag:$0x1] =	stream.indirect.gather @!p1 [hbm4b:s4+s20], $0x20, s14, s20, $0xb8;
	[tilespmem:$0x11E00] =	vst v63  }
0x3b: {  	p2 =	sne.s32 s15, $0x4F;
	s14 =	smov.u32 s17  }
0x3c: {  	s19 =	sadd.s32 $0xFFFF9000, s3;
	_ =	swait.ge [sflag:s30], $0x1000  }
0x3d: {  	p1 =	sgt.u32 s18, $0x47;
	s19 =	sand.u32 $0x7000, s19;
	[sflag:s30] =	ssyncset.done $0x0  }
.Ltmp0:
0x3e: {  	s19 =	sadd.s32 $0x4F00, s19;
	[sflag:s30] =	ssyncadd.s32 $0xFFFFF000;
	(pc) =	sbr.rel @p2 .LBB2_2-.Ltmp0, $4  }
0x3f: {  	[spmem:s1] =	stream.indirect.scatter.add.f32 [tilespmem:s19], [sflag:$0x2], $0x20, s16, s12, $0xb8;
	[tilespmem:$0x11E00] =	vst v63  }
0x40: {  	s18 =	simm.s32 @!p1 $0x2;
	s19 =	sand.u32 @!p1 $0x7000, s3  }
0x41: {  	s16 =	sadd.s32 $0x80, s16;
	s19 =	sadd.s32 @!p1 $0x4F00, s19;
	_ =	swait.ge @!p1 [sflag:s18], $0x1000  }
0x42: {  	s17 =	sadd.s32 $0x80, s17;
	s20 =	simm.s32 @!p1 $0x80;
	[sflag:s18] =	ssyncset.done @!p1 $0x0  }
0x43: {  	[sflag:s18] =	ssyncadd.s32 @!p1 $0xFFFFF000  }
0x44: {  	[tilespmem:s19], [sflag:$0x1] =	stream.indirect.gather @!p1 [hbm4b:s4+s20], $0x20, s14, s20, $0xb8;
	[tilespmem:$0x11E00] =	vst v63  }
0x45: {  	_ =	swait.ge [sflag:s31], $0x1000  }
0x46: {  	[sflag:s31] =	ssyncset.done $0x0  }
0x47: {  	[sflag:s31] =	ssyncadd.s32 $0xFFFFF000  }
0x48: {  	_ =	swait.ge [sflag:s31], $0x1000  }
0x49: {  	[sflag:s31] =	ssyncset.done $0x0  }
0x4a: {  	[sflag:s31] =	ssyncadd.s32 $0xFFFFF000  }
0x4b: {  	_ =	swait.ge [sflag:s31], $0x1000  }
0x4c: {  	[sflag:s31] =	ssyncset.done $0x0  }
0x4d: {  	[sflag:s31] =	ssyncadd.s32 $0xFFFFF000  }
0x4e: {  	_ =	swait.ge [sflag:s31], $0x1000  }
0x4f: {  	[sflag:s31] =	ssyncset.done $0x0  }
0x50: {  	[sflag:s31] =	ssyncadd.s32 $0xFFFFF000  }
0x51: {  	_ =	swait.ge [sflag:s31], $0x1000  }
0x52: {  	[sflag:s31] =	ssyncset.done $0x0  }
0x53: {  	[sflag:s31] =	ssyncadd.s32 $0xFFFFF000  }
0x54: {  	_ =	swait.ge [sflag:s31], $0x1000  }
0x55: {  	[sflag:s31] =	ssyncset.done $0x0  }
0x56: {  	[sflag:s31] =	ssyncadd.s32 $0xFFFFF000  }
0x57: {  	_ =	swait.ge [sflag:s31], $0x1000  }
0x58: {  	[sflag:s31] =	ssyncset.done $0x0  }
0x59: {  	[sflag:s31] =	ssyncadd.s32 $0xFFFFF000  }
0x5a: {  	_ =	swait.ge [sflag:s31], $0x1000  }
0x5b: {  	s3 =	stileid.u32;
	s0 =	sadd.s32 $0x1, s0;
	[sflag:s31] =	ssyncset.done $0x0  }
0x5c: {  	s3 =	sshll.u32 s3, $0x6;
	p1 =	sne.s32 s0, s8;
	[sflag:s31] =	ssyncadd.s32 $0xFFFFF000  }
.Ltmp1:
0x5d: {  	s3 =	sor.u32 $0x1C03, s3;
	[bflag:$0x0] =	sbarrier.arrive $0xFFFF;
	(pc) =	sbr.rel @p1 .LBB2_1-.Ltmp1, $4  }
0x5e: {  	[hbm:s23], [sflag:s3] =	dma.local [spmem:s25], $0x9E0  }
0x5f: {  	_ =	swait.ge [sflag:s9], $0x9E0  }
0x60: {  	[sflag:s9] =	ssyncset.done $0x0  }
0x61: {  	[sflag:s9] =	ssyncadd.s32 $0xFFFFF620  }
0x62: {  	_ =	sfence.sel $0x180000  }
0x63: {  	[bflag:$0x0] =	sbarrier.arrive $0xFFFF  }
0x64: {  	_ =	strace $0x9000004D  }
0x65: {  	[bflag:$0x2] =	sbarrier.arrive $0xFFFF  }
0x66: {  	s0 =	rddreg [dreg:$0x2]  }
0x67: {  	s0 =	sadd.s32 @!p0 $0x100000, s0  }
0x68: {  	[sflag:s0] =	ssyncadd.tile.s32 @!p0 $0x1;
	_ =	shalt  }
.Lfunc_end2:
_tile_overlayer_lowered:
.L_overlay_start_2:
0x69: {  	(tag) =	ssettag $0x2  }
0x6a: {  	s0 =	rddreg [dreg:$0x0];
	s2 =	stileid.u32  }
0x6b: {  	s1 =	rddreg [dreg:$0x1];
	p0 =	sne.s32 s2, $0x0  }
0x6c: {  	s3 =	rddreg [dreg:$0x2];
	[bflag:$0x3] =	sbarrier.arrive $0xFFFF;
	s2 =	simm.s32 @!p0 $0x1C03  }
0x6d: {  	[timem:s3], [sflag:s2] =	dma.local @!p0 [hbm:s0], s1  }
0x6e: {  	s0 =	simm.s32 @!p0 $0x3  }
0x6f: {  	_ =	swait.ge @!p0 [sflag:s0], s1  }
0x70: {  	s1 =	ssub.s32 @!p0 $0x0, s1;
	[sflag:s0] =	ssyncset.done @!p0 $0x0  }
0x71: {  	[sflag:s0] =	ssyncadd.s32 @!p0 s1  }
0x72: {  	[bflag:$0x3] =	sbarrier.arrive $0xFFFF  }
0x73: {  	_ =	shalt  }

// kernel: kernel.8.cloned.1.call-start
scs
__scs_entry_jumppad:
0x0: {  	(pc) =	sbr.rel $0x88, $3  }
0x1: {  	(tag) =	ssettag $0x0;
	lr =	simm.s32 $0x1  }
0x2: {  	[smem:$0x3F99] =	sst lr;
	_ =	strace $0xD0000000  }
0x3: {  	_ = 	snop  }
0x4: {  	_ = 	snop  }
0x5: {  	_ = 	snop  }
0x6: {  	_ = 	snop  }
0x7: {  	_ = 	snop  }
__scs_overlays_trampoline_lowered:
0x8: {  	[smem:$0x3FA8] =	sst s0  }
0x9: {  	[smem:$0x3FA9] =	sst s1  }
0xa: {  	[smem:$0x3FAA] =	sst s2  }
0xb: {  	[smem:$0x3FAB] =	sst s3  }
0xc: {  	[smem:$0x3FAC] =	sst s4  }
0xd: {  	[smem:$0x3FAD] =	sst s5  }
0xe: {  	[smem:$0x3FAE] =	sst s6  }
0xf: {  	[smem:$0x3FAF] =	sst s7  }
0x10: {  	[smem:$0x3FB0] =	sst s8  }
0x11: {  	[smem:$0x3FB1] =	sst s9;
	s0 =	simm.s32 @!p0 $0x0  }
0x12: {  	s1 =	sld [smem:$0x3F97];
	s0 =	simm.s32 @p0 $0x1  }
0x13: {  	[smem:$0x3FB2] =	sst s0;
	s0 =	simm.s32 @!p1 $0x0  }
0x14: {  	s2 =	sld [smem:$0x3F96];
	s0 =	simm.s32 @p1 $0x1  }
0x15: {  	[smem:$0x3FB3] =	sst s0;
	s0 =	simm.s32 @!p2 $0x0  }
0x16: {  	s3 =	sld [smem:$0x3FDB];
	s0 =	simm.s32 @p2 $0x1  }
0x17: {  	s4 =	simm.s32 $0x1BF5;
	[smem:$0x3FB5] =	sst s0  }
0x18: {  	s0 =	sld [smem:$0x3F98];
	_ =	swait.ge [sflag:s4], $0x0  }
0x19: {  	s7 =	sld [smem:$0x3F99]  }
0x1a: {  	s8 =	sadd.s32 $0xFFFFE003, lr  }
0x1b: {  	s9 =	sadd.s32 $0xFFFFFEF7, lr;
	s5 =	simm.s32 $0xFFFFFFFF;
	p2 =	slt.u32 s8, $0xFFFFF086  }
0x1c: {  	p1 =	slt.u32 s9, $0xF7A;
	s5 =	simm.s32 @!p2 $0x0  }
0x1d: {  	s5 =	simm.s32 @p1 $0x1;
	p0 =	seq.s32 s7, s2  }
0x1e: {  	s7 =	smul.u32 @!p0 $0xF7A, s2;
	p2 =	seq.s32 @!p0 s5, $0x0  }
0x1f: {  	s9 =	smul.u32 $0xF7A, s1;
	s8 =	simm.s32 @!p0 $0x1BF5;
	p2 =	por !p2, p0  }
0x20: {  	[sflag:s8] =	ssyncset.s32 @!p0 $0xFFFFF086;
	s6 =	sadd.s32 @!p0 s3, s7;
	s7 =	simm.s32 @!p0 $0x108  }
0x21: {  	s3 =	sadd.s32 s3, s9;
	s6 =	sadd.s32 @!p0 $0x88, s6;
	s7 =	simm.s32 @p2 $0x1082  }
0x22: {  	[simem:s7], [sflag:s8] =	dma.local @!p0 [hbm:s6], $0xF7A  }
0x23: {  	s9 =	sor.u32 $0xD0000000, s2;
	s6 =	simm.s32 $0x108;
	_ =	swait.ge @!p0 [sflag:s8], $0x0  }
0x24: {  	s3 =	sadd.s32 $0x88, s3;
	s6 =	simm.s32 @!p1 $0x1082;
	[sflag:s4] =	ssyncset.s32 $0xFFFFF086  }
0x25: {  	[simem:s6], [sflag:s4] =	dma.local [hbm:s3], $0xF7A  }
0x26: {  	[smem:$0x3F99] =	sst s1;
	(tag) =	ssettag s2;
	_ =	strace s9  }
0x27: {  	s1 =	sld [smem:$0x3FA9]  }
0x28: {  	s2 =	sld [smem:$0x3FAA]  }
0x29: {  	s4 =	sld [smem:$0x3FAC]  }
0x2a: {  	p0 =	seq.s32 s5, $0x0;
	s5 =	sld [smem:$0x3FAD]  }
0x2b: {  	s6 =	sld [smem:$0x3FAE]  }
0x2c: {  	s7 =	sld [smem:$0x3FAF]  }
0x2d: {  	s3 =	simm.s32 $0x108;
	s8 =	sld [smem:$0x3FB0]  }
0x2e: {  	s3 =	simm.s32 @!p0 $0x1082;
	s9 =	sld [smem:$0x3FB1]  }
0x2f: {  	lr =	sadd.s32 s0, s3;
	s0 =	sld [smem:$0x3FA8]  }
0x30: {  	s3 =	sld [smem:$0x3FAB]  }
0x31: {  	[smem:$0x3FB4] =	sst s10  }
0x32: {  	s10 =	sld [smem:$0x3FB2];
	_ =	sdelay $0x3  }
0x33: {  	p0 =	seq.s32 s10, $0x1;
	s10 =	sld [smem:$0x3FB4];
	_ =	sdelay $0x3  }
0x34: {  	[smem:$0x3FB4] =	sst s10  }
0x35: {  	s10 =	sld [smem:$0x3FB3];
	_ =	sdelay $0x3  }
0x36: {  	p1 =	seq.s32 s10, $0x1;
	s10 =	sld [smem:$0x3FB4];
	_ =	sdelay $0x3  }
0x37: {  	[smem:$0x3FB4] =	sst s10  }
0x38: {  	s10 =	sld [smem:$0x3FB5]  }
0x39: {  	_ = 	snop;
	(pc) =	sbr.ind lr, $3  }
0x3a: {  	_ = 	snop  }
0x3b: {  	_ = 	snop  }
0x3c: {  	p2 =	seq.s32 s10, $0x1;
	s10 =	sld [smem:$0x3FB4]  }
0x3d: {  	_ =	shalt  }
0x3e: {  	_ =	shalt  }
0x3f: {  	_ =	shalt  }
0x40: {  	_ =	shalt  }
0x41: {  	_ =	shalt  }
0x42: {  	_ =	shalt  }
0x43: {  	_ =	shalt  }
0x44: {  	_ =	shalt  }
0x45: {  	_ =	shalt  }
0x46: {  	_ =	shalt  }
0x47: {  	_ =	shalt  }
0x48: {  	_ =	shalt  }
0x49: {  	_ =	shalt  }
0x4a: {  	_ =	shalt  }
0x4b: {  	_ =	shalt  }
0x4c: {  	_ =	shalt  }
0x4d: {  	_ =	shalt  }
0x4e: {  	_ =	shalt  }
0x4f: {  	_ =	shalt  }
0x50: {  	_ =	shalt  }
0x51: {  	_ =	shalt  }
0x52: {  	_ =	shalt  }
0x53: {  	_ =	shalt  }
0x54: {  	_ =	shalt  }
0x55: {  	_ =	shalt  }
0x56: {  	_ =	shalt  }
0x57: {  	_ =	shalt  }
0x58: {  	_ =	shalt  }
0x59: {  	_ =	shalt  }
0x5a: {  	_ =	shalt  }
0x5b: {  	_ =	shalt  }
0x5c: {  	_ =	shalt  }
0x5d: {  	_ =	shalt  }
0x5e: {  	_ =	shalt  }
0x5f: {  	_ =	shalt  }
0x60: {  	_ =	shalt  }
0x61: {  	_ =	shalt  }
0x62: {  	_ =	shalt  }
0x63: {  	_ =	shalt  }
0x64: {  	_ =	shalt  }
0x65: {  	_ =	shalt  }
0x66: {  	_ =	shalt  }
0x67: {  	_ =	shalt  }
0x68: {  	_ =	shalt  }
0x69: {  	_ =	shalt  }
0x6a: {  	_ =	shalt  }
0x6b: {  	_ =	shalt  }
0x6c: {  	_ =	shalt  }
0x6d: {  	_ =	shalt  }
0x6e: {  	_ =	shalt  }
0x6f: {  	_ =	shalt  }
0x70: {  	_ =	shalt  }
0x71: {  	_ =	shalt  }
0x72: {  	_ =	shalt  }
0x73: {  	_ =	shalt  }
0x74: {  	_ =	shalt  }
0x75: {  	_ =	shalt  }
0x76: {  	_ =	shalt  }
0x77: {  	_ =	shalt  }
0x78: {  	_ =	shalt  }
0x79: {  	_ =	shalt  }
0x7a: {  	_ =	shalt  }
0x7b: {  	_ =	shalt  }
0x7c: {  	_ =	shalt  }
0x7d: {  	_ =	shalt  }
0x7e: {  	_ =	shalt  }
0x7f: {  	_ =	shalt  }
0x80: {  	_ =	shalt  }
0x81: {  	_ =	shalt  }
0x82: {  	_ =	shalt  }
0x83: {  	_ =	shalt  }
0x84: {  	_ =	shalt  }
0x85: {  	_ =	shalt  }
0x86: {  	_ =	shalt  }
0x87: {  	_ =	shalt  }
.Lfunc_end0:
.L_simem_size_0:
called_computation_lowered:
.L_overlay_start_0:
0x88: {  	s2 =	sld [smem:$0x3FD9]  }
0x89: {  	s3 =	sld [smem:$0x3FFE];
	_ =	sdelay $0x1  }
0x8a: {  	s1 =	srdreg.scid  }
0x8b: {  	s0 =	sand.u32 $0x1, s1  }
0x8c: {  	s17 =	sshll.u32 s0, $0xA;
	s2 =	sadd.s32 s3, s2  }
0x8d: {  	s2 =	sadd.s32 s2, s17  }
0x8e: {  	[smem:$0x3FC0] =	sst s2  }
0x8f: {  	_ = 	snop  }
0x90: {  	s2 =	sld [smem:$0x3FD0];
	(tm) =	ssettm $0x1  }
0x91: {  	s18 =	sld [smem:$0x3FFB];
	_ =	sdelay $0x3  }
0x92: {  	_ =	strace s18  }
0x93: {  	s3 =	sld [smem:$0x3FFC];
	_ =	sdelay $0x3  }
0x94: {  	_ =	strace s3  }
0x95: {  	s3 =	sld [smem:$0x3FFD];
	_ =	sdelay $0x3  }
0x96: {  	_ =	strace s3  }
0x97: {  	_ =	strace $0x8FFFFFFF  }
0x98: {  	s19 =	sld [smem:$0x3FDB];
	_ =	sdelay $0x1  }
0x99: {  	s4 =	simm.s32 $_scs_section_size  }
0x9a: {  	s5 =	simm.s32 $_size__tile_overlayer_lowered;
	s6 =	simm.s32 $_tile_overlayer_lowered  }
0x9b: {  	s22 =	simm.s32 $0x1BFF;
	s21 =	sshll.u32 s6, $0x1;
	s3 =	sadd.s32 s4, s19  }
0x9c: {  	s7 =	simm.s32 $0x0;
	s20 =	sshll.u32 s5, $0x1;
	s5 =	sadd.s32 s21, s3  }
0x9d: {  	[timem:s7], [sflag:s22] =	dma.local [hbm:s5], s20  }
0x9e: {  	_ =	swait.ge [sflag:s22], s20  }
0x9f: {  	s4 =	ssub.s32 $0x0, s20;
	[sflag:s22] =	ssyncset.done $0x0  }
0xa0: {  	[sflag:s22] =	ssyncadd.s32 s4;
	_ =	sdelay $0x1  }
0xa1: {  	s23 =	simm.s32 $0x1B8B  }
0xa2: {  	_ =	swait.ge [sflag:s23], $0x1  }
0xa3: {  	[sflag:s23] =	ssyncset.done $0x0  }
0xa4: {  	s25 =	simm.s32 $0x1B8E;
	s24 =	sld [smem:$0x3FFE];
	[sflag:s23] =	ssyncadd.s32 $0xFFFFFFFF  }
0xa5: {  	s26 =	simm.s32 $execute0_lowered;
	[smem:$0x3FD2] =	sst s25  }
0xa6: {  	s5 =	sshll.u32 s26, $0x1;
	_ =	strace $0x80000046;
	[dreg:$0x1] =	wrdreg $0xFFFFFFFF  }
0xa7: {  	s28 =	simm.s32 $_size_execute0_lowered;
	s3 =	sadd.s32 s3, s5;
	[dreg:$0x0] =	wrdreg $0x0  }
0xa8: {  	s5 =	sshll.u32 s28, $0x1;
	[dreg:$0x2] =	wrdreg s3  }
0xa9: {  	[dreg:$0x3] =	wrdreg s5  }
0xaa: {  	[dreg:$0x4] =	wrdreg $0xC0  }
0xab: {  	_ =	task [dreg:s7], $0x5FFFF  }
0xac: {  	[dreg:$0x1] =	wrdreg $0xFFFFFFFF  }
0xad: {  	[dreg:$0x0] =	wrdreg $0x60  }
0xae: {  	[dreg:$0x2] =	wrdreg s24  }
0xaf: {  	[dreg:$0x3] =	wrdreg s2  }
0xb0: {  	[dreg:$0x4] =	wrdreg $0x2B800  }
0xb1: {  	[dreg:$0x5] =	wrdreg $0x9  }
0xb2: {  	_ =	task.clear_ibuf [dreg:s7], $0x6FFFF;
	_ =	strace $0x90000046  }
0xb3: {  	s29 =	simm.s32 $0x9;
	_ =	strace $0x80000048  }
0xb4: {  	_ =	swait.ge [sflag:s29], $0x1  }
0xb5: {  	[sflag:s29] =	ssyncadd.s32 $0xFFFFFFFF  }
0xb6: {  	_ =	strace $0x90000048  }
0xb7: {  	_ =	sfence  }
0xb8: {  	s30 =	sld [smem:$0x0];
	_ =	sdelay $0x2  }
0xb9: {  	s31 =	sshll.u32 s1, $0xD;
	s1 =	sshrl.u32 s1, $0x2  }
0xba: {  	s3 =	sand.u32 $0x4000, s31;
	s1 =	sadd.s32 s1, s30  }
0xbb: {  	s0 =	sor.u32 s3, s0;
	s1 =	sshll.u32 s1, $0x11  }
0xbc: {  	s0 =	sor.u32 s1, s0  }
0xbd: {  	s0 =	sadd.s32 $0x8F2B, s0  }
0xbe: {  	[sflag:s0] =	ssyncadd.remote.s32 $0x1  }
0xbf: {  	_ =	sfence.sel $0xFFFF  }
0xc0: {  	[dreg:$0x0] =	wrdreg $0xFFFFFFFF;
	(pc) =	sbr.abs _section_cstart, $3  }
0xc1: {  	[dreg:$0x1] =	wrdreg $0xFFFFFFFF  }
0xc2: {  	_ =	task.clear_ibuf [dreg:s7], $0x2FFFF;
	_ =	strace $0x9FFFFFFF  }
0xc3: {  	(tm) =	ssettm $0x7FFFFFFF  }
tec
execute0_lowered:
.L_overlay_start_1:
0x0: {  	(tag) =	ssettag $0x1  }
0x1: {  	s5 =	rddreg [dreg:$0x0]  }
0x2: {  	s1 =	rddreg [dreg:$0x1]  }
0x3: {  	s0 =	srdreg.scid;
	s2 =	rddreg [dreg:$0x2]  }
0x4: {  	s3 =	simm.s32 $0x0;
	s4 =	sand.u32 $0x1, s0;
	s0 =	rddreg [dreg:$0x3]  }
0x5: {  	s12 =	stileid.u32;
	[smem:$0x7FF] =	sst s3  }
0x6: {  	s10 =	smul.u32 $0x13C0, s12;
	p0 =	sne.s32 s12, $0x0;
	s6 =	sshll.u32 s4, $0x4  }
0x7: {  	_ =	strace $0x80000047;
	s7 =	smul.u32 $0x2780, s4;
	s8 =	ssub.s32 $0x2, s4  }
0x8: {  	s4 =	sadd.s32 $0xB600, s5;
	s6 =	sor.u32 s12, s6;
	s9 =	sshrl.u32 s8, $0x1  }
0x9: {  	s13 =	sshrl.u32 s10, $0x3;
	s14 =	sadd.s32 s10, s2;
	s10 =	simm.s32 $0x80  }
0xa: {  	s12 =	sshll.u32 s12, $0x6;
	s6 =	smul.u32 $0x4F0, s6;
	s7 =	sadd.s32 s7, s5  }
0xb: {  	s8 =	ssub.s32 s8, s9;
	s9 =	sshrl.u32 @!p0 s2, $0x3;
	s12 =	sor.u32 $0x1C01, s12  }
0xc: {  	s11 =	sadd.s32 $0xDE00, s7;
	s7 =	simm.s32 $0x1;
	s6 =	sadd.s32 s6, s5  }
0xd: {  	s11 =	sadd.s32 s13, s11;
	s13 =	sshrl.u32 s14, $0x3;
	s14 =	simm.s32 $0x0  }
0xe: {  	s5 =	sadd.s32 $0x1800, s6;
	s6 =	smax.u32 s8, $0x1;
	s8 =	simm.s32 $0x2780  }
.LBB2_1:
0xf: {  	[tilespmem:s3], [sflag:$0x1] =	stream.linear.gather [hbm4b:s5+s3], $0x2780, $0x38;
	[tilespmem:$0x3F40] =	vst v63  }
0x10: {  	_ =	swait.ge [sflag:s7], $0x2780  }
0x11: {  	[sflag:s7] =	ssyncset.done $0x0  }
0x12: {  	[sflag:s7] =	ssyncadd.s32 $0xFFFFD880  }
0x13: {  	[tilespmem:s8], [sflag:$0x1] =	stream.linear.gather [hbm4b:s1+s3], $0x400, $0x38;
	[tilespmem:$0x3F40] =	vst v63  }
0x14: {  	_ =	swait.ge [sflag:s7], $0x400  }
0x15: {  	[sflag:s7] =	ssyncset.done $0x0  }
0x16: {  	s15 =	simm.s32 @!p0 $0x1C01;
	[sflag:s7] =	ssyncadd.s32 $0xFFFFFC00  }
0x17: {  	[spmem:s9], [sflag:s15] =	dma.local @!p0 [hbm:s4], $0x2780  }
0x18: {  	s15 =	simm.s32 @!p0 $0x1  }
0x19: {  	_ =	swait.ge @!p0 [sflag:s15], $0x2780  }
0x1a: {  	[sflag:s15] =	ssyncset.done @!p0 $0x0  }
0x1b: {  	[sflag:s15] =	ssyncadd.s32 @!p0 $0xFFFFD880  }
0x1c: {  	s31 =	simm.s32 $0x0;
	[bflag:$0x0] =	sbarrier.arrive $0xFFFF  }
0x1d: {  	[spmem:s2] =	stream.indirect.scatter.add.f32 [tilespmem:s8], [sflag:$0x1], $0x8, s31, s10, $0xb8;
	[tilespmem:$0x3F40] =	vst v63  }
0x1e: {  	_ =	swait.ge [sflag:s7], $0x400  }
0x1f: {  	s15 =	simm.s32 $0x200;
	[sflag:s7] =	ssyncset.done $0x0  }
.LBB2_2:
0x20: {  	s16 =	sshra.s32 s15, $0x2;
	[sflag:s7] =	ssyncadd.s32 $0xFFFFFC00;
	p1 =	sne.s32 s15, $0x9C00  }
0x21: {  	[spmem:s2] =	stream.indirect.scatter.add.f32 [tilespmem:s8], [sflag:$0x1], $0x8, s16, s10, $0xb8;
	[tilespmem:$0x3F40] =	vst v63  }
.Ltmp0:
0x22: {  	_ = 	snop;
	(pc) =	sbr.rel @p1 .LBB2_2-.Ltmp0, $4  }
0x23: {  	_ = 	snop  }
0x24: {  	s15 =	sadd.s32 $0x200, s15  }
0x25: {  	_ =	swait.ge [sflag:s7], $0x400  }
0x26: {  	[sflag:s7] =	ssyncset.done $0x0  }
0x27: {  	s14 =	sadd.s32 $0x1, s14  }
0x28: {  	[sflag:s7] =	ssyncadd.s32 $0xFFFFFC00;
	p1 =	sne.s32 s14, s6  }
.Ltmp1:
0x29: {  	[bflag:$0x0] =	sbarrier.arrive $0xFFFF;
	(pc) =	sbr.rel @p1 .LBB2_1-.Ltmp1, $4  }
0x2a: {  	[hbm:s11], [sflag:s12] =	dma.local [spmem:s13], $0x278  }
0x2b: {  	_ =	swait.ge [sflag:s7], $0x278  }
0x2c: {  	[sflag:s7] =	ssyncset.done $0x0  }
0x2d: {  	[sflag:s7] =	ssyncadd.s32 $0xFFFFFD88  }
0x2e: {  	_ =	sfence.sel $0x180000  }
0x2f: {  	[bflag:$0x0] =	sbarrier.arrive $0xFFFF  }
0x30: {  	_ =	strace $0x90000047  }
0x31: {  	s0 =	sadd.s32 @!p0 $0x100000, s0;
	[bflag:$0x2] =	sbarrier.arrive $0xFFFF  }
0x32: {  	[sflag:s0] =	ssyncadd.tile.s32 @!p0 $0x1;
	_ =	shalt  }
.Lfunc_end2:
_tile_overlayer_lowered:
.L_overlay_start_2:
0x33: {  	(tag) =	ssettag $0x2  }
0x34: {  	s0 =	rddreg [dreg:$0x0];
	s2 =	stileid.u32  }
0x35: {  	s1 =	rddreg [dreg:$0x1];
	p0 =	sne.s32 s2, $0x0  }
0x36: {  	s3 =	rddreg [dreg:$0x2];
	[bflag:$0x3] =	sbarrier.arrive $0xFFFF;
	s2 =	simm.s32 @!p0 $0x1C01  }
0x37: {  	[timem:s3], [sflag:s2] =	dma.local @!p0 [hbm:s0], s1  }
0x38: {  	s0 =	simm.s32 @!p0 $0x1  }
0x39: {  	_ =	swait.ge @!p0 [sflag:s0], s1  }
0x3a: {  	s1 =	ssub.s32 @!p0 $0x0, s1;
	[sflag:s0] =	ssyncset.done @!p0 $0x0  }
0x3b: {  	[sflag:s0] =	ssyncadd.s32 @!p0 s1  }
0x3c: {  	[bflag:$0x3] =	sbarrier.arrive $0xFFFF  }
0x3d: {  	_ =	shalt  }

</sc_bundles>
